<compile_context>
chip_gen: v7x
topology: tpu7x:2x2x1
jax: 0.10.2.dev20260603
libtpu: 0.0.44.dev20260713+nightly
codegen_flags: <defaults>
</compile_context>

<pallas_src>
import math

import jax
import jax.numpy as jnp
from jax import lax
from jax.experimental import pallas as pl
from jax.experimental.pallas import tpu as pltpu
from jax.experimental.pallas import tpu_sc as plsc

NC = 2
NS = 16
NW = NC * NS
B = 128


def _mm_body(x_ref, w_ref, o_ref):
    o_ref[...] = lax.dot_general(
        x_ref[...], w_ref[...], (((1,), (0,)), ((), ())),
        precision=lax.Precision.HIGHEST, preferred_element_type=jnp.float32)


def _matmul(x, W, row_block):
    N, D = x.shape
    return pl.pallas_call(
        _mm_body,
        grid=(N // row_block,),
        in_specs=[pl.BlockSpec((row_block, D), lambda i: (i, 0)),
                  pl.BlockSpec((D, D), lambda i: (0, 0))],
        out_specs=pl.BlockSpec((row_block, D), lambda i: (i, 0)),
        out_shape=jax.ShapeDtypeStruct((N, D), jnp.float32),
    )(x, W)


def _mid_body(sp_ref, g_ref, dgp_ref, x_ref, b_ref, w_ref, o_ref):
    s = sp_ref[0] + sp_ref[1] - g_ref[...]
    deg = (dgp_ref[0, :, 0:1] + dgp_ref[1, :, 0:1]
           - 2.0 * x_ref[:, 0:1] + 1.0)
    h = jnp.maximum(s / deg + b_ref[...], 0.0)
    o_ref[...] = lax.dot_general(
        h, w_ref[...], (((1,), (0,)), ((), ())),
        precision=lax.Precision.HIGHEST, preferred_element_type=jnp.float32)


def _tc_mid(sp, g, dgp, x, b2d, W, row_block):
    N, D = g.shape
    return pl.pallas_call(
        _mid_body,
        grid=(N // row_block,),
        in_specs=[pl.BlockSpec((2, row_block, D), lambda i: (0, i, 0)),
                  pl.BlockSpec((row_block, D), lambda i: (i, 0)),
                  pl.BlockSpec((2, row_block, D), lambda i: (0, i, 0)),
                  pl.BlockSpec((row_block, D), lambda i: (i, 0)),
                  pl.BlockSpec((1, D), lambda i: (0, 0)),
                  pl.BlockSpec((D, D), lambda i: (0, 0))],
        out_specs=pl.BlockSpec((row_block, D), lambda i: (i, 0)),
        out_shape=jax.ShapeDtypeStruct((N, D), jnp.float32),
    )(sp, g, dgp, x, b2d, W)


def _fin_body(sp_ref, g_ref, dgp_ref, x_ref, b_ref, o_ref):
    s = sp_ref[0] + sp_ref[1] - g_ref[...]
    deg = (dgp_ref[0, :, 0:1] + dgp_ref[1, :, 0:1]
           - 2.0 * x_ref[:, 0:1] + 1.0)
    o_ref[...] = s / deg + b_ref[...]


def _tc_final(sp, g, dgp, x, b2d, row_block):
    N, D = g.shape
    return pl.pallas_call(
        _fin_body,
        grid=(N // row_block,),
        in_specs=[pl.BlockSpec((2, row_block, D), lambda i: (0, i, 0)),
                  pl.BlockSpec((row_block, D), lambda i: (i, 0)),
                  pl.BlockSpec((2, row_block, D), lambda i: (0, i, 0)),
                  pl.BlockSpec((row_block, D), lambda i: (i, 0)),
                  pl.BlockSpec((1, D), lambda i: (0, 0))],
        out_specs=pl.BlockSpec((row_block, D), lambda i: (i, 0)),
        out_shape=jax.ShapeDtypeStruct((N, D), jnp.float32),
    )(sp, g, dgp, x, b2d)


def _sc_messages(g, srcJ, dstJ):
    N, D = g.shape
    nb = srcJ.shape[1]
    rows_per = N // NS
    mesh = plsc.VectorSubcoreMesh(core_axis_name="c", subcore_axis_name="s")

    scratch = [pltpu.VMEM((nb, B), jnp.int32),
               pltpu.VMEM((nb, B), jnp.int32),
               pltpu.VMEM((B, D), jnp.float32),
               pltpu.SemaphoreType.DMA,
               pltpu.SemaphoreType.DMA,
               pltpu.VMEM_SHARED((N, D), jnp.float32)]

    def body(g_h, srcJ_h, dstJ_h, out_h, src_v, dst_v, rows_v, sem0, sem1,
             acc_sh):
        c = lax.axis_index("c")
        s = lax.axis_index("s")
        w = c * NS + s
        pltpu.sync_copy(srcJ_h.at[w], src_v)
        pltpu.sync_copy(dstJ_h.at[w], dst_v)
        r0 = s * rows_per
        pltpu.sync_copy(g_h.at[pl.ds(r0, rows_per)],
                        acc_sh.at[pl.ds(r0, rows_per)])
        plsc.subcore_barrier()

        H = B // 2

        def step(j, carry):
            h0 = pltpu.async_copy(g_h.at[src_v.at[j, pl.ds(0, H)]],
                                  rows_v.at[pl.ds(0, H)], sem0)
            h1 = pltpu.async_copy(g_h.at[src_v.at[j, pl.ds(H, H)]],
                                  rows_v.at[pl.ds(H, H)], sem1)
            h0.wait()
            h1.wait()
            pltpu.sync_copy(rows_v, acc_sh.at[dst_v.at[j]], add=True)
            return carry

        lax.fori_loop(0, nb, step, 0)
        plsc.subcore_barrier()
        pltpu.sync_copy(acc_sh.at[pl.ds(r0, rows_per)],
                        out_h.at[c, pl.ds(r0, rows_per)])

    fn = pl.kernel(body,
                   out_type=jax.ShapeDtypeStruct((2, N, D), jnp.float32),
                   mesh=mesh, scratch_types=scratch)
    return fn(g, srcJ, dstJ)


def _sc_degrees(x, dstJ, ones_hb):
    N, D = x.shape
    nb = dstJ.shape[1]
    rows_per = N // NS
    mesh = plsc.VectorSubcoreMesh(core_axis_name="c", subcore_axis_name="s")

    scratch = [pltpu.VMEM((nb, B), jnp.int32),
               pltpu.VMEM((B, D), jnp.float32),
               pltpu.VMEM_SHARED((N, D), jnp.float32)]

    def body(x_h, dstJ_h, ones_h, out_h, dst_v, ones_v, acc_sh):
        c = lax.axis_index("c")
        s = lax.axis_index("s")
        w = c * NS + s
        pltpu.sync_copy(dstJ_h.at[w], dst_v)
        pltpu.sync_copy(ones_h, ones_v)
        r0 = s * rows_per
        pltpu.sync_copy(x_h.at[pl.ds(r0, rows_per)],
                        acc_sh.at[pl.ds(r0, rows_per)])
        plsc.subcore_barrier()

        def step(j, carry):
            pltpu.sync_copy(ones_v, acc_sh.at[dst_v.at[j]], add=True)
            return carry

        lax.fori_loop(0, nb, step, 0)
        plsc.subcore_barrier()
        pltpu.sync_copy(acc_sh.at[pl.ds(r0, rows_per)],
                        out_h.at[c, pl.ds(r0, rows_per)])

    fn = pl.kernel(body,
                   out_type=jax.ShapeDtypeStruct((2, N, D), jnp.float32),
                   mesh=mesh, scratch_types=scratch)
    return fn(x, dstJ, ones_hb)


def kernel(x, edge_index, W1, b1, W2, b2):
    N, D = x.shape
    E = edge_index.shape[1]

    chunk = -(-(-(-N // NS)) // 8) * 8
    Np = chunk * NS
    if Np != N:
        x = jnp.concatenate([x, jnp.zeros((Np - N, D), x.dtype)])

    nb = math.ceil(E / (NW * B))
    ep = NW * B * nb
    src = edge_index[0]
    dst = edge_index[1]
    if ep != E:
        src = jnp.concatenate([src, jnp.zeros((ep - E,), jnp.int32)])
        dst = jnp.concatenate([dst, jnp.full((ep - E,), N, jnp.int32)])
    srcJ = src.reshape(NW, nb, B)
    dstJ = dst.reshape(NW, nb, B)

    b1_2d = b1.reshape(1, D)
    b2_2d = b2.reshape(1, D)
    rb = Np // 4 if Np % 4 == 0 else Np

    ones_hb = jnp.ones((B, D), jnp.float32)
    dgp = _sc_degrees(x, dstJ, ones_hb)
    g1 = _matmul(x, W1, rb)
    s1p = _sc_messages(g1, srcJ, dstJ)
    g2 = _tc_mid(s1p, g1, dgp, x, b1_2d, W2, rb)
    s2p = _sc_messages(g2, srcJ, dstJ)
    return _tc_final(s2p, g2, dgp, x, b2_2d, rb)[:N]

# --- scband reference (transcript-rebuilt; emitter-appended) ---
"""Pipeline reference for scband-graph-sage-20117626814613 (READ-ONLY COPY).

The authoritative reference and input builder live on the scoring server;
editing this copy changes nothing except your own understanding.
"""

import jax, jax.numpy as jnp
import numpy as np

N = 10000
E = 320000
D = 128


def setup_inputs(seed: int = 0) -> dict:
    key = jax.random.key(seed)
    k1, k2, k3, k4, k5, k6 = jax.random.split(key, 6)
    x = jax.random.normal(k1, (N, D), dtype=jnp.float32)
    edge_index = jax.random.randint(k2, (2, E), 0, N, dtype=jnp.int32)
    W1 = jax.random.normal(k3, (D, D), dtype=jnp.float32) * 0.05
    b1 = jnp.zeros((D,), dtype=jnp.float32)
    W2 = jax.random.normal(k4, (D, D), dtype=jnp.float32) * 0.05
    b2 = jnp.zeros((D,), dtype=jnp.float32)
    return {"x": x, "edge_index": edge_index, "W1": W1, "b1": b1, "W2": W2, "b2": b2}


def _sage_gcn_layer(h, edge_index, W, b):
    # DGL SAGEConv with aggregator_type='gcn':
    # h_i' = fc_neigh( (sum_{j in N(i)} h_j + h_i) / (deg_in(i) + 1) )
    src = edge_index[0]
    dst = edge_index[1]
    n = h.shape[0]
    gathered = jnp.take(h, src, axis=0)                      # gather (SparseCore)
    agg = jnp.zeros_like(h).at[dst].add(gathered) + h        # scatter-add + self
    deg = jnp.zeros((n,), dtype=h.dtype).at[dst].add(1.0) + 1.0
    h_norm = agg / deg[:, None]
    return h_norm @ W + b


def reference(x, edge_index, W1, b1, W2, b2):
    # Dropout layers act as identity in eval/inference mode.
    h = _sage_gcn_layer(x, edge_index, W1, b1)
    h = jax.nn.relu(h)
    h = _sage_gcn_layer(h, edge_index, W2, b2)
    return h

if __name__ == "__main__":
    import jax
    _d = setup_inputs()
    print(jax.jit(kernel)(*tuple(_d.values())))

</pallas_src>

<mosaic_0001>
#map = affine_map<(d0, d1) -> (0, 0)>
#map1 = affine_map<(d0, d1) -> (0, 0, 0)>
module attributes {stable_mosaic.version = 14 : i64} {
  func.func @body(%arg0: i32, %arg1: i32, %arg2: memref<10112x128xf32, #tpu.memory_space<hbm>>, %arg3: memref<32x79x128xi32, #tpu.memory_space<hbm>>, %arg4: memref<32x79x128xi32, #tpu.memory_space<hbm>>, %arg5: memref<2x10112x128xf32, #tpu.memory_space<hbm>>, %arg6: memref<79x128xi32, #tpu.memory_space<vmem>>, %arg7: memref<79x128xi32, #tpu.memory_space<vmem>>, %arg8: memref<128x128xf32, #tpu.memory_space<vmem>>, %arg9: memref<!tpu.dma_semaphore, #tpu.memory_space<semaphore_mem>>, %arg10: memref<!tpu.dma_semaphore, #tpu.memory_space<semaphore_mem>>, %arg11: memref<10112x128xf32, #tpu.memory_space<vmem_shared>>) attributes {dimension_semantics = [#tpu.dimension_semantics<core_parallel>, #tpu.dimension_semantics<subcore_parallel>], iteration_bounds = array<i64: 2, 16>, scalar_prefetch = 0 : i64, scratch_operands = 6 : i64, tpu.core_type = #tpu.core_type<sc_vector_subcore>, window_params = [{transform_indices = #map}, {transform_indices = #map1}, {transform_indices = #map1}, {transform_indices = #map1}]} {
    %mul3A = arith.constant 16 : i32
    %mul3A_0 = arith.muli %arg0, %mul3A : i32
    %add3A = arith.addi %mul3A_0, %arg1 : i32
    "tpu.region"() ({
      %run_scoped3A = tpu.sem_alloc : memref<!tpu.dma_semaphore, #tpu.memory_space<semaphore_mem>>
      %dma_start3A = arith.constant 0 : i32
      %dma_start3A_9 = arith.constant 0 : i32
      %dma_start3A_10 = tpu.memref_slice %arg3[%add3A, %dma_start3A, %dma_start3A_9] : memref<32x79x128xi32, #tpu.memory_space<hbm>> -> memref<1x79x128xi32, #tpu.memory_space<hbm>>
      %dma_start3A_11 = tpu.memref_squeeze %dma_start3A_10 : memref<1x79x128xi32, #tpu.memory_space<hbm>> -> memref<79x128xi32, #tpu.memory_space<hbm>>
      %dma_start3A_12 = arith.constant 0 : i32
      %dma_start3A_13 = arith.constant 0 : i32
      %dma_start3A_14 = tpu.memref_slice %arg3[%add3A, %dma_start3A_12, %dma_start3A_13] : memref<32x79x128xi32, #tpu.memory_space<hbm>> -> memref<1x79x128xi32, #tpu.memory_space<hbm>>
      %dma_start3A_15 = tpu.memref_squeeze %dma_start3A_14 : memref<1x79x128xi32, #tpu.memory_space<hbm>> -> memref<79x128xi32, #tpu.memory_space<hbm>>
      tpu.enqueue_dma source(%dma_start3A_15 : memref<79x128xi32, #tpu.memory_space<hbm>>) target(%arg6 : memref<79x128xi32, #tpu.memory_space<vmem>>) target_semaphore(%run_scoped3A : memref<!tpu.dma_semaphore, #tpu.memory_space<semaphore_mem>>)
      %dma_wait3A = arith.constant 0 : i32
      %dma_wait3A_16 = arith.constant 0 : i32
      %dma_wait3A_17 = tpu.memref_slice %arg3[%add3A, %dma_wait3A, %dma_wait3A_16] : memref<32x79x128xi32, #tpu.memory_space<hbm>> -> memref<1x79x128xi32, #tpu.memory_space<hbm>>
      %dma_wait3A_18 = tpu.memref_squeeze %dma_wait3A_17 : memref<1x79x128xi32, #tpu.memory_space<hbm>> -> memref<79x128xi32, #tpu.memory_space<hbm>>
      %dma_wait3A_19 = arith.constant 0 : i32
      %dma_wait3A_20 = arith.constant 0 : i32
      %dma_wait3A_21 = tpu.memref_slice %arg3[%add3A, %dma_wait3A_19, %dma_wait3A_20] : memref<32x79x128xi32, #tpu.memory_space<hbm>> -> memref<1x79x128xi32, #tpu.memory_space<hbm>>
      %dma_wait3A_22 = tpu.memref_squeeze %dma_wait3A_21 : memref<1x79x128xi32, #tpu.memory_space<hbm>> -> memref<79x128xi32, #tpu.memory_space<hbm>>
      tpu.wait_dma2 semaphore(%run_scoped3A : memref<!tpu.dma_semaphore, #tpu.memory_space<semaphore_mem>>) src(%dma_wait3A_22 : memref<79x128xi32, #tpu.memory_space<hbm>>) dst(%arg6 : memref<79x128xi32, #tpu.memory_space<vmem>>)
      tpu.yield
    }) : () -> ()
    "tpu.region"() ({
      %run_scoped3A = tpu.sem_alloc : memref<!tpu.dma_semaphore, #tpu.memory_space<semaphore_mem>>
      %dma_start3A = arith.constant 0 : i32
      %dma_start3A_9 = arith.constant 0 : i32
      %dma_start3A_10 = tpu.memref_slice %arg4[%add3A, %dma_start3A, %dma_start3A_9] : memref<32x79x128xi32, #tpu.memory_space<hbm>> -> memref<1x79x128xi32, #tpu.memory_space<hbm>>
      %dma_start3A_11 = tpu.memref_squeeze %dma_start3A_10 : memref<1x79x128xi32, #tpu.memory_space<hbm>> -> memref<79x128xi32, #tpu.memory_space<hbm>>
      %dma_start3A_12 = arith.constant 0 : i32
      %dma_start3A_13 = arith.constant 0 : i32
      %dma_start3A_14 = tpu.memref_slice %arg4[%add3A, %dma_start3A_12, %dma_start3A_13] : memref<32x79x128xi32, #tpu.memory_space<hbm>> -> memref<1x79x128xi32, #tpu.memory_space<hbm>>
      %dma_start3A_15 = tpu.memref_squeeze %dma_start3A_14 : memref<1x79x128xi32, #tpu.memory_space<hbm>> -> memref<79x128xi32, #tpu.memory_space<hbm>>
      tpu.enqueue_dma source(%dma_start3A_15 : memref<79x128xi32, #tpu.memory_space<hbm>>) target(%arg7 : memref<79x128xi32, #tpu.memory_space<vmem>>) target_semaphore(%run_scoped3A : memref<!tpu.dma_semaphore, #tpu.memory_space<semaphore_mem>>)
      %dma_wait3A = arith.constant 0 : i32
      %dma_wait3A_16 = arith.constant 0 : i32
      %dma_wait3A_17 = tpu.memref_slice %arg4[%add3A, %dma_wait3A, %dma_wait3A_16] : memref<32x79x128xi32, #tpu.memory_space<hbm>> -> memref<1x79x128xi32, #tpu.memory_space<hbm>>
      %dma_wait3A_18 = tpu.memref_squeeze %dma_wait3A_17 : memref<1x79x128xi32, #tpu.memory_space<hbm>> -> memref<79x128xi32, #tpu.memory_space<hbm>>
      %dma_wait3A_19 = arith.constant 0 : i32
      %dma_wait3A_20 = arith.constant 0 : i32
      %dma_wait3A_21 = tpu.memref_slice %arg4[%add3A, %dma_wait3A_19, %dma_wait3A_20] : memref<32x79x128xi32, #tpu.memory_space<hbm>> -> memref<1x79x128xi32, #tpu.memory_space<hbm>>
      %dma_wait3A_22 = tpu.memref_squeeze %dma_wait3A_21 : memref<1x79x128xi32, #tpu.memory_space<hbm>> -> memref<79x128xi32, #tpu.memory_space<hbm>>
      tpu.wait_dma2 semaphore(%run_scoped3A : memref<!tpu.dma_semaphore, #tpu.memory_space<semaphore_mem>>) src(%dma_wait3A_22 : memref<79x128xi32, #tpu.memory_space<hbm>>) dst(%arg7 : memref<79x128xi32, #tpu.memory_space<vmem>>)
      tpu.yield
    }) : () -> ()
    %mul3A_1 = arith.constant 632 : i32
    %mul3A_2 = arith.muli %arg1, %mul3A_1 : i32
    "tpu.region"() ({
      %run_scoped3A = tpu.sem_alloc : memref<!tpu.dma_semaphore, #tpu.memory_space<semaphore_mem>>
      %dma_start3A = arith.constant 0 : i32
      %dma_start3A_9 = tpu.memref_slice %arg11[%mul3A_2, %dma_start3A] : memref<10112x128xf32, #tpu.memory_space<vmem_shared>> -> memref<632x128xf32, #tpu.memory_space<vmem_shared>>
      %dma_start3A_10 = arith.constant 0 : i32
      %dma_start3A_11 = tpu.memref_slice %arg2[%mul3A_2, %dma_start3A_10] : memref<10112x128xf32, #tpu.memory_space<hbm>> -> memref<632x128xf32, #tpu.memory_space<hbm>>
      tpu.enqueue_dma source(%dma_start3A_11 : memref<632x128xf32, #tpu.memory_space<hbm>>) target(%dma_start3A_9 : memref<632x128xf32, #tpu.memory_space<vmem_shared>>) target_semaphore(%run_scoped3A : memref<!tpu.dma_semaphore, #tpu.memory_space<semaphore_mem>>)
      %dma_wait3A = arith.constant 0 : i32
      %dma_wait3A_12 = tpu.memref_slice %arg11[%mul3A_2, %dma_wait3A] : memref<10112x128xf32, #tpu.memory_space<vmem_shared>> -> memref<632x128xf32, #tpu.memory_space<vmem_shared>>
      %dma_wait3A_13 = arith.constant 0 : i32
      %dma_wait3A_14 = tpu.memref_slice %arg2[%mul3A_2, %dma_wait3A_13] : memref<10112x128xf32, #tpu.memory_space<hbm>> -> memref<632x128xf32, #tpu.memory_space<hbm>>
      tpu.wait_dma2 semaphore(%run_scoped3A : memref<!tpu.dma_semaphore, #tpu.memory_space<semaphore_mem>>) src(%dma_wait3A_14 : memref<632x128xf32, #tpu.memory_space<hbm>>) dst(%dma_wait3A_12 : memref<632x128xf32, #tpu.memory_space<vmem_shared>>)
      tpu.yield
    }) : () -> ()
    %barrier3A = arith.constant 0 : index
    tpu.barrier barrier_id(%barrier3A)
    %scan3A = arith.constant 0 : i32
    %scan3A_3 = arith.constant 0 : i32
    %scan3A_4 = arith.constant 79 : i32
    %scan3A_5 = arith.addi %scan3A_3, %scan3A_4 : i32
    %scan3A_6 = arith.constant 1 : i32
    scf.for %scan3A_9 = %scan3A_3 to %scan3A_5 step %scan3A_6  : i32 {
      %dma_start3A = arith.constant 0 : i32
      %dma_start3A_10 = arith.constant 0 : i32
      %dma_start3A_11 = tpu.memref_slice %arg8[%dma_start3A, %dma_start3A_10] : memref<128x128xf32, #tpu.memory_space<vmem>> -> memref<64x128xf32, #tpu.memory_space<vmem>>
      %dma_start3A_12 = arith.constant 0 : i32
      %dma_start3A_13 = tpu.memref_slice %arg6[%scan3A_9, %dma_start3A_12] : memref<79x128xi32, #tpu.memory_space<vmem>> -> memref<1x64xi32, #tpu.memory_space<vmem>>
      %dma_start3A_14 = tpu.memref_squeeze %dma_start3A_13 : memref<1x64xi32, #tpu.memory_space<vmem>> -> memref<64xi32, #tpu.memory_space<vmem>>
      %dma_start3A_15 = arith.constant 0 : i32
      %dma_start3A_16 = arith.constant 0 : i32
      %dma_start3A_17 = tpu.memref_slice %arg2[%dma_start3A_15, %dma_start3A_16] : memref<10112x128xf32, #tpu.memory_space<hbm>> -> memref<10112x128xf32, #tpu.memory_space<hbm>>
      tpu.enqueue_indirect_dma source(%dma_start3A_17 : memref<10112x128xf32, #tpu.memory_space<hbm>>) target(%dma_start3A_11 : memref<64x128xf32, #tpu.memory_space<vmem>>) offsets(%dma_start3A_14 : memref<64xi32, #tpu.memory_space<vmem>>) semaphore(%arg9 : memref<!tpu.dma_semaphore, #tpu.memory_space<semaphore_mem>>)
      %dma_start3A_18 = arith.constant 64 : i32
      %dma_start3A_19 = arith.constant 0 : i32
      %dma_start3A_20 = tpu.memref_slice %arg8[%dma_start3A_18, %dma_start3A_19] : memref<128x128xf32, #tpu.memory_space<vmem>> -> memref<64x128xf32, #tpu.memory_space<vmem>>
      %dma_start3A_21 = arith.constant 64 : i32
      %dma_start3A_22 = tpu.memref_slice %arg6[%scan3A_9, %dma_start3A_21] : memref<79x128xi32, #tpu.memory_space<vmem>> -> memref<1x64xi32, #tpu.memory_space<vmem>>
      %dma_start3A_23 = tpu.memref_squeeze %dma_start3A_22 : memref<1x64xi32, #tpu.memory_space<vmem>> -> memref<64xi32, #tpu.memory_space<vmem>>
      %dma_start3A_24 = arith.constant 0 : i32
      %dma_start3A_25 = arith.constant 0 : i32
      %dma_start3A_26 = tpu.memref_slice %arg2[%dma_start3A_24, %dma_start3A_25] : memref<10112x128xf32, #tpu.memory_space<hbm>> -> memref<10112x128xf32, #tpu.memory_space<hbm>>
      tpu.enqueue_indirect_dma source(%dma_start3A_26 : memref<10112x128xf32, #tpu.memory_space<hbm>>) target(%dma_start3A_20 : memref<64x128xf32, #tpu.memory_space<vmem>>) offsets(%dma_start3A_23 : memref<64xi32, #tpu.memory_space<vmem>>) semaphore(%arg10 : memref<!tpu.dma_semaphore, #tpu.memory_space<semaphore_mem>>)
      %dma_wait3A = arith.constant 0 : i32
      %dma_wait3A_27 = arith.constant 0 : i32
      %dma_wait3A_28 = tpu.memref_slice %arg8[%dma_wait3A, %dma_wait3A_27] : memref<128x128xf32, #tpu.memory_space<vmem>> -> memref<64x128xf32, #tpu.memory_space<vmem>>
      %dma_wait3A_29 = arith.constant 0 : i32
      %dma_wait3A_30 = tpu.memref_slice %arg6[%scan3A_9, %dma_wait3A_29] : memref<79x128xi32, #tpu.memory_space<vmem>> -> memref<1x64xi32, #tpu.memory_space<vmem>>
      %dma_wait3A_31 = tpu.memref_squeeze %dma_wait3A_30 : memref<1x64xi32, #tpu.memory_space<vmem>> -> memref<64xi32, #tpu.memory_space<vmem>>
      %dma_wait3A_32 = arith.constant 0 : i32
      %dma_wait3A_33 = arith.constant 0 : i32
      %dma_wait3A_34 = tpu.memref_slice %arg2[%dma_wait3A_32, %dma_wait3A_33] : memref<10112x128xf32, #tpu.memory_space<hbm>> -> memref<10112x128xf32, #tpu.memory_space<hbm>>
      tpu.wait_indirect_dma semaphore(%arg9 : memref<!tpu.dma_semaphore, #tpu.memory_space<semaphore_mem>>) src(%dma_wait3A_34 : memref<10112x128xf32, #tpu.memory_space<hbm>>) dst(%dma_wait3A_28 : memref<64x128xf32, #tpu.memory_space<vmem>>)
      %dma_wait3A_35 = arith.constant 64 : i32
      %dma_wait3A_36 = arith.constant 0 : i32
      %dma_wait3A_37 = tpu.memref_slice %arg8[%dma_wait3A_35, %dma_wait3A_36] : memref<128x128xf32, #tpu.memory_space<vmem>> -> memref<64x128xf32, #tpu.memory_space<vmem>>
      %dma_wait3A_38 = arith.constant 64 : i32
      %dma_wait3A_39 = tpu.memref_slice %arg6[%scan3A_9, %dma_wait3A_38] : memref<79x128xi32, #tpu.memory_space<vmem>> -> memref<1x64xi32, #tpu.memory_space<vmem>>
      %dma_wait3A_40 = tpu.memref_squeeze %dma_wait3A_39 : memref<1x64xi32, #tpu.memory_space<vmem>> -> memref<64xi32, #tpu.memory_space<vmem>>
      %dma_wait3A_41 = arith.constant 0 : i32
      %dma_wait3A_42 = arith.constant 0 : i32
      %dma_wait3A_43 = tpu.memref_slice %arg2[%dma_wait3A_41, %dma_wait3A_42] : memref<10112x128xf32, #tpu.memory_space<hbm>> -> memref<10112x128xf32, #tpu.memory_space<hbm>>
      tpu.wait_indirect_dma semaphore(%arg10 : memref<!tpu.dma_semaphore, #tpu.memory_space<semaphore_mem>>) src(%dma_wait3A_43 : memref<10112x128xf32, #tpu.memory_space<hbm>>) dst(%dma_wait3A_37 : memref<64x128xf32, #tpu.memory_space<vmem>>)
      "tpu.region"() ({
        %run_scoped3A = tpu.sem_alloc : memref<!tpu.dma_semaphore, #tpu.memory_space<semaphore_mem>>
        %dma_start3A_44 = arith.constant 0 : i32
        %dma_start3A_45 = tpu.memref_slice %arg7[%scan3A_9, %dma_start3A_44] : memref<79x128xi32, #tpu.memory_space<vmem>> -> memref<1x128xi32, #tpu.memory_space<vmem>>
        %dma_start3A_46 = tpu.memref_squeeze %dma_start3A_45 : memref<1x128xi32, #tpu.memory_space<vmem>> -> memref<128xi32, #tpu.memory_space<vmem>>
        %dma_start3A_47 = arith.constant 0 : i32
        %dma_start3A_48 = arith.constant 0 : i32
        %dma_start3A_49 = tpu.memref_slice %arg11[%dma_start3A_47, %dma_start3A_48] : memref<10112x128xf32, #tpu.memory_space<vmem_shared>> -> memref<10112x128xf32, #tpu.memory_space<vmem_shared>>
        tpu.enqueue_indirect_dma source(%arg8 : memref<128x128xf32, #tpu.memory_space<vmem>>) target(%dma_start3A_49 : memref<10112x128xf32, #tpu.memory_space<vmem_shared>>) offsets(%dma_start3A_46 : memref<128xi32, #tpu.memory_space<vmem>>) semaphore(%run_scoped3A : memref<!tpu.dma_semaphore, #tpu.memory_space<semaphore_mem>>) {add = true}
        %dma_wait3A_50 = arith.constant 0 : i32
        %dma_wait3A_51 = tpu.memref_slice %arg7[%scan3A_9, %dma_wait3A_50] : memref<79x128xi32, #tpu.memory_space<vmem>> -> memref<1x128xi32, #tpu.memory_space<vmem>>
        %dma_wait3A_52 = tpu.memref_squeeze %dma_wait3A_51 : memref<1x128xi32, #tpu.memory_space<vmem>> -> memref<128xi32, #tpu.memory_space<vmem>>
        %dma_wait3A_53 = arith.constant 0 : i32
        %dma_wait3A_54 = arith.constant 0 : i32
        %dma_wait3A_55 = tpu.memref_slice %arg11[%dma_wait3A_53, %dma_wait3A_54] : memref<10112x128xf32, #tpu.memory_space<vmem_shared>> -> memref<10112x128xf32, #tpu.memory_space<vmem_shared>>
        tpu.wait_indirect_dma semaphore(%run_scoped3A : memref<!tpu.dma_semaphore, #tpu.memory_space<semaphore_mem>>) src(%arg8 : memref<128x128xf32, #tpu.memory_space<vmem>>) dst(%dma_wait3A_55 : memref<10112x128xf32, #tpu.memory_space<vmem_shared>>)
        tpu.yield
      }) : () -> ()
    }
    %scan3A_7 = arith.constant 79 : i32
    %barrier3A_8 = arith.constant 0 : index
    tpu.barrier barrier_id(%barrier3A_8)
    "tpu.region"() ({
      %run_scoped3A = tpu.sem_alloc : memref<!tpu.dma_semaphore, #tpu.memory_space<semaphore_mem>>
      %dma_start3A = arith.constant 0 : i32
      %dma_start3A_9 = tpu.memref_slice %arg5[%arg0, %mul3A_2, %dma_start3A] : memref<2x10112x128xf32, #tpu.memory_space<hbm>> -> memref<1x632x128xf32, #tpu.memory_space<hbm>>
      %dma_start3A_10 = tpu.memref_squeeze %dma_start3A_9 : memref<1x632x128xf32, #tpu.memory_space<hbm>> -> memref<632x128xf32, #tpu.memory_space<hbm>>
      %dma_start3A_11 = arith.constant 0 : i32
      %dma_start3A_12 = tpu.memref_slice %arg11[%mul3A_2, %dma_start3A_11] : memref<10112x128xf32, #tpu.memory_space<vmem_shared>> -> memref<632x128xf32, #tpu.memory_space<vmem_shared>>
      tpu.enqueue_dma source(%dma_start3A_12 : memref<632x128xf32, #tpu.memory_space<vmem_shared>>) target(%dma_start3A_10 : memref<632x128xf32, #tpu.memory_space<hbm>>) target_semaphore(%run_scoped3A : memref<!tpu.dma_semaphore, #tpu.memory_space<semaphore_mem>>)
      %dma_wait3A = arith.constant 0 : i32
      %dma_wait3A_13 = tpu.memref_slice %arg5[%arg0, %mul3A_2, %dma_wait3A] : memref<2x10112x128xf32, #tpu.memory_space<hbm>> -> memref<1x632x128xf32, #tpu.memory_space<hbm>>
      %dma_wait3A_14 = tpu.memref_squeeze %dma_wait3A_13 : memref<1x632x128xf32, #tpu.memory_space<hbm>> -> memref<632x128xf32, #tpu.memory_space<hbm>>
      %dma_wait3A_15 = arith.constant 0 : i32
      %dma_wait3A_16 = tpu.memref_slice %arg11[%mul3A_2, %dma_wait3A_15] : memref<10112x128xf32, #tpu.memory_space<vmem_shared>> -> memref<632x128xf32, #tpu.memory_space<vmem_shared>>
      tpu.wait_dma2 semaphore(%run_scoped3A : memref<!tpu.dma_semaphore, #tpu.memory_space<semaphore_mem>>) src(%dma_wait3A_16 : memref<632x128xf32, #tpu.memory_space<vmem_shared>>) dst(%dma_wait3A_14 : memref<632x128xf32, #tpu.memory_space<hbm>>)
      tpu.yield
    }) : () -> ()
    return
  }
}

#map = affine_map<(d0, d1) -> (0, 0)>
#map1 = affine_map<(d0, d1) -> (0, 0, 0)>
module attributes {stable_mosaic.version = 14 : i64} {
  func.func @body(%arg0: i32, %arg1: i32, %arg2: memref<10112x128xf32, #tpu.memory_space<hbm>>, %arg3: memref<32x79x128xi32, #tpu.memory_space<hbm>>, %arg4: memref<128x128xf32, #tpu.memory_space<hbm>>, %arg5: memref<2x10112x128xf32, #tpu.memory_space<hbm>>, %arg6: memref<79x128xi32, #tpu.memory_space<vmem>>, %arg7: memref<128x128xf32, #tpu.memory_space<vmem>>, %arg8: memref<10112x128xf32, #tpu.memory_space<vmem_shared>>) attributes {dimension_semantics = [#tpu.dimension_semantics<core_parallel>, #tpu.dimension_semantics<subcore_parallel>], iteration_bounds = array<i64: 2, 16>, scalar_prefetch = 0 : i64, scratch_operands = 3 : i64, tpu.core_type = #tpu.core_type<sc_vector_subcore>, window_params = [{transform_indices = #map}, {transform_indices = #map1}, {transform_indices = #map}, {transform_indices = #map1}]} {
    %mul3A = arith.constant 16 : i32
    %mul3A_0 = arith.muli %arg0, %mul3A : i32
    %add3A = arith.addi %mul3A_0, %arg1 : i32
    "tpu.region"() ({
      %run_scoped3A = tpu.sem_alloc : memref<!tpu.dma_semaphore, #tpu.memory_space<semaphore_mem>>
      %dma_start3A = arith.constant 0 : i32
      %dma_start3A_9 = arith.constant 0 : i32
      %dma_start3A_10 = tpu.memref_slice %arg3[%add3A, %dma_start3A, %dma_start3A_9] : memref<32x79x128xi32, #tpu.memory_space<hbm>> -> memref<1x79x128xi32, #tpu.memory_space<hbm>>
      %dma_start3A_11 = tpu.memref_squeeze %dma_start3A_10 : memref<1x79x128xi32, #tpu.memory_space<hbm>> -> memref<79x128xi32, #tpu.memory_space<hbm>>
      %dma_start3A_12 = arith.constant 0 : i32
      %dma_start3A_13 = arith.constant 0 : i32
      %dma_start3A_14 = tpu.memref_slice %arg3[%add3A, %dma_start3A_12, %dma_start3A_13] : memref<32x79x128xi32, #tpu.memory_space<hbm>> -> memref<1x79x128xi32, #tpu.memory_space<hbm>>
      %dma_start3A_15 = tpu.memref_squeeze %dma_start3A_14 : memref<1x79x128xi32, #tpu.memory_space<hbm>> -> memref<79x128xi32, #tpu.memory_space<hbm>>
      tpu.enqueue_dma source(%dma_start3A_15 : memref<79x128xi32, #tpu.memory_space<hbm>>) target(%arg6 : memref<79x128xi32, #tpu.memory_space<vmem>>) target_semaphore(%run_scoped3A : memref<!tpu.dma_semaphore, #tpu.memory_space<semaphore_mem>>)
      %dma_wait3A = arith.constant 0 : i32
      %dma_wait3A_16 = arith.constant 0 : i32
      %dma_wait3A_17 = tpu.memref_slice %arg3[%add3A, %dma_wait3A, %dma_wait3A_16] : memref<32x79x128xi32, #tpu.memory_space<hbm>> -> memref<1x79x128xi32, #tpu.memory_space<hbm>>
      %dma_wait3A_18 = tpu.memref_squeeze %dma_wait3A_17 : memref<1x79x128xi32, #tpu.memory_space<hbm>> -> memref<79x128xi32, #tpu.memory_space<hbm>>
      %dma_wait3A_19 = arith.constant 0 : i32
      %dma_wait3A_20 = arith.constant 0 : i32
      %dma_wait3A_21 = tpu.memref_slice %arg3[%add3A, %dma_wait3A_19, %dma_wait3A_20] : memref<32x79x128xi32, #tpu.memory_space<hbm>> -> memref<1x79x128xi32, #tpu.memory_space<hbm>>
      %dma_wait3A_22 = tpu.memref_squeeze %dma_wait3A_21 : memref<1x79x128xi32, #tpu.memory_space<hbm>> -> memref<79x128xi32, #tpu.memory_space<hbm>>
      tpu.wait_dma2 semaphore(%run_scoped3A : memref<!tpu.dma_semaphore, #tpu.memory_space<semaphore_mem>>) src(%dma_wait3A_22 : memref<79x128xi32, #tpu.memory_space<hbm>>) dst(%arg6 : memref<79x128xi32, #tpu.memory_space<vmem>>)
      tpu.yield
    }) : () -> ()
    "tpu.region"() ({
      %run_scoped3A = tpu.sem_alloc : memref<!tpu.dma_semaphore, #tpu.memory_space<semaphore_mem>>
      tpu.enqueue_dma source(%arg4 : memref<128x128xf32, #tpu.memory_space<hbm>>) target(%arg7 : memref<128x128xf32, #tpu.memory_space<vmem>>) target_semaphore(%run_scoped3A : memref<!tpu.dma_semaphore, #tpu.memory_space<semaphore_mem>>)
      tpu.wait_dma2 semaphore(%run_scoped3A : memref<!tpu.dma_semaphore, #tpu.memory_space<semaphore_mem>>) src(%arg4 : memref<128x128xf32, #tpu.memory_space<hbm>>) dst(%arg7 : memref<128x128xf32, #tpu.memory_space<vmem>>)
      tpu.yield
    }) : () -> ()
    %mul3A_1 = arith.constant 632 : i32
    %mul3A_2 = arith.muli %arg1, %mul3A_1 : i32
    "tpu.region"() ({
      %run_scoped3A = tpu.sem_alloc : memref<!tpu.dma_semaphore, #tpu.memory_space<semaphore_mem>>
      %dma_start3A = arith.constant 0 : i32
      %dma_start3A_9 = tpu.memref_slice %arg8[%mul3A_2, %dma_start3A] : memref<10112x128xf32, #tpu.memory_space<vmem_shared>> -> memref<632x128xf32, #tpu.memory_space<vmem_shared>>
      %dma_start3A_10 = arith.constant 0 : i32
      %dma_start3A_11 = tpu.memref_slice %arg2[%mul3A_2, %dma_start3A_10] : memref<10112x128xf32, #tpu.memory_space<hbm>> -> memref<632x128xf32, #tpu.memory_space<hbm>>
      tpu.enqueue_dma source(%dma_start3A_11 : memref<632x128xf32, #tpu.memory_space<hbm>>) target(%dma_start3A_9 : memref<632x128xf32, #tpu.memory_space<vmem_shared>>) target_semaphore(%run_scoped3A : memref<!tpu.dma_semaphore, #tpu.memory_space<semaphore_mem>>)
      %dma_wait3A = arith.constant 0 : i32
      %dma_wait3A_12 = tpu.memref_slice %arg8[%mul3A_2, %dma_wait3A] : memref<10112x128xf32, #tpu.memory_space<vmem_shared>> -> memref<632x128xf32, #tpu.memory_space<vmem_shared>>
      %dma_wait3A_13 = arith.constant 0 : i32
      %dma_wait3A_14 = tpu.memref_slice %arg2[%mul3A_2, %dma_wait3A_13] : memref<10112x128xf32, #tpu.memory_space<hbm>> -> memref<632x128xf32, #tpu.memory_space<hbm>>
      tpu.wait_dma2 semaphore(%run_scoped3A : memref<!tpu.dma_semaphore, #tpu.memory_space<semaphore_mem>>) src(%dma_wait3A_14 : memref<632x128xf32, #tpu.memory_space<hbm>>) dst(%dma_wait3A_12 : memref<632x128xf32, #tpu.memory_space<vmem_shared>>)
      tpu.yield
    }) : () -> ()
    %barrier3A = arith.constant 0 : index
    tpu.barrier barrier_id(%barrier3A)
    %scan3A = arith.constant 0 : i32
    %scan3A_3 = arith.constant 0 : i32
    %scan3A_4 = arith.constant 79 : i32
    %scan3A_5 = arith.addi %scan3A_3, %scan3A_4 : i32
    %scan3A_6 = arith.constant 1 : i32
    scf.for %scan3A_9 = %scan3A_3 to %scan3A_5 step %scan3A_6  : i32 {
      "tpu.region"() ({
        %run_scoped3A = tpu.sem_alloc : memref<!tpu.dma_semaphore, #tpu.memory_space<semaphore_mem>>
        %dma_start3A = arith.constant 0 : i32
        %dma_start3A_10 = tpu.memref_slice %arg6[%scan3A_9, %dma_start3A] : memref<79x128xi32, #tpu.memory_space<vmem>> -> memref<1x128xi32, #tpu.memory_space<vmem>>
        %dma_start3A_11 = tpu.memref_squeeze %dma_start3A_10 : memref<1x128xi32, #tpu.memory_space<vmem>> -> memref<128xi32, #tpu.memory_space<vmem>>
        %dma_start3A_12 = arith.constant 0 : i32
        %dma_start3A_13 = arith.constant 0 : i32
        %dma_start3A_14 = tpu.memref_slice %arg8[%dma_start3A_12, %dma_start3A_13] : memref<10112x128xf32, #tpu.memory_space<vmem_shared>> -> memref<10112x128xf32, #tpu.memory_space<vmem_shared>>
        tpu.enqueue_indirect_dma source(%arg7 : memref<128x128xf32, #tpu.memory_space<vmem>>) target(%dma_start3A_14 : memref<10112x128xf32, #tpu.memory_space<vmem_shared>>) offsets(%dma_start3A_11 : memref<128xi32, #tpu.memory_space<vmem>>) semaphore(%run_scoped3A : memref<!tpu.dma_semaphore, #tpu.memory_space<semaphore_mem>>) {add = true}
        %dma_wait3A = arith.constant 0 : i32
        %dma_wait3A_15 = tpu.memref_slice %arg6[%scan3A_9, %dma_wait3A] : memref<79x128xi32, #tpu.memory_space<vmem>> -> memref<1x128xi32, #tpu.memory_space<vmem>>
        %dma_wait3A_16 = tpu.memref_squeeze %dma_wait3A_15 : memref<1x128xi32, #tpu.memory_space<vmem>> -> memref<128xi32, #tpu.memory_space<vmem>>
        %dma_wait3A_17 = arith.constant 0 : i32
        %dma_wait3A_18 = arith.constant 0 : i32
        %dma_wait3A_19 = tpu.memref_slice %arg8[%dma_wait3A_17, %dma_wait3A_18] : memref<10112x128xf32, #tpu.memory_space<vmem_shared>> -> memref<10112x128xf32, #tpu.memory_space<vmem_shared>>
        tpu.wait_indirect_dma semaphore(%run_scoped3A : memref<!tpu.dma_semaphore, #tpu.memory_space<semaphore_mem>>) src(%arg7 : memref<128x128xf32, #tpu.memory_space<vmem>>) dst(%dma_wait3A_19 : memref<10112x128xf32, #tpu.memory_space<vmem_shared>>)
        tpu.yield
      }) : () -> ()
    }
    %scan3A_7 = arith.constant 79 : i32
    %barrier3A_8 = arith.constant 0 : index
    tpu.barrier barrier_id(%barrier3A_8)
    "tpu.region"() ({
      %run_scoped3A = tpu.sem_alloc : memref<!tpu.dma_semaphore, #tpu.memory_space<semaphore_mem>>
      %dma_start3A = arith.constant 0 : i32
      %dma_start3A_9 = tpu.memref_slice %arg5[%arg0, %mul3A_2, %dma_start3A] : memref<2x10112x128xf32, #tpu.memory_space<hbm>> -> memref<1x632x128xf32, #tpu.memory_space<hbm>>
      %dma_start3A_10 = tpu.memref_squeeze %dma_start3A_9 : memref<1x632x128xf32, #tpu.memory_space<hbm>> -> memref<632x128xf32, #tpu.memory_space<hbm>>
      %dma_start3A_11 = arith.constant 0 : i32
      %dma_start3A_12 = tpu.memref_slice %arg8[%mul3A_2, %dma_start3A_11] : memref<10112x128xf32, #tpu.memory_space<vmem_shared>> -> memref<632x128xf32, #tpu.memory_space<vmem_shared>>
      tpu.enqueue_dma source(%dma_start3A_12 : memref<632x128xf32, #tpu.memory_space<vmem_shared>>) target(%dma_start3A_10 : memref<632x128xf32, #tpu.memory_space<hbm>>) target_semaphore(%run_scoped3A : memref<!tpu.dma_semaphore, #tpu.memory_space<semaphore_mem>>)
      %dma_wait3A = arith.constant 0 : i32
      %dma_wait3A_13 = tpu.memref_slice %arg5[%arg0, %mul3A_2, %dma_wait3A] : memref<2x10112x128xf32, #tpu.memory_space<hbm>> -> memref<1x632x128xf32, #tpu.memory_space<hbm>>
      %dma_wait3A_14 = tpu.memref_squeeze %dma_wait3A_13 : memref<1x632x128xf32, #tpu.memory_space<hbm>> -> memref<632x128xf32, #tpu.memory_space<hbm>>
      %dma_wait3A_15 = arith.constant 0 : i32
      %dma_wait3A_16 = tpu.memref_slice %arg8[%mul3A_2, %dma_wait3A_15] : memref<10112x128xf32, #tpu.memory_space<vmem_shared>> -> memref<632x128xf32, #tpu.memory_space<vmem_shared>>
      tpu.wait_dma2 semaphore(%run_scoped3A : memref<!tpu.dma_semaphore, #tpu.memory_space<semaphore_mem>>) src(%dma_wait3A_16 : memref<632x128xf32, #tpu.memory_space<vmem_shared>>) dst(%dma_wait3A_14 : memref<632x128xf32, #tpu.memory_space<hbm>>)
      tpu.yield
    }) : () -> ()
    return
  }
}

#map = affine_map<(d0, d1) -> (0, 0)>
#map1 = affine_map<(d0, d1) -> (0, 0, 0)>
module attributes {stable_mosaic.version = 14 : i64} {
  func.func @body(%arg0: i32, %arg1: i32, %arg2: memref<10112x128xf32, #tpu.memory_space<hbm>>, %arg3: memref<32x79x128xi32, #tpu.memory_space<hbm>>, %arg4: memref<32x79x128xi32, #tpu.memory_space<hbm>>, %arg5: memref<2x10112x128xf32, #tpu.memory_space<hbm>>, %arg6: memref<79x128xi32, #tpu.memory_space<vmem>>, %arg7: memref<79x128xi32, #tpu.memory_space<vmem>>, %arg8: memref<128x128xf32, #tpu.memory_space<vmem>>, %arg9: memref<!tpu.dma_semaphore, #tpu.memory_space<semaphore_mem>>, %arg10: memref<!tpu.dma_semaphore, #tpu.memory_space<semaphore_mem>>, %arg11: memref<10112x128xf32, #tpu.memory_space<vmem_shared>>) attributes {dimension_semantics = [#tpu.dimension_semantics<core_parallel>, #tpu.dimension_semantics<subcore_parallel>], iteration_bounds = array<i64: 2, 16>, scalar_prefetch = 0 : i64, scratch_operands = 6 : i64, tpu.core_type = #tpu.core_type<sc_vector_subcore>, window_params = [{transform_indices = #map}, {transform_indices = #map1}, {transform_indices = #map1}, {transform_indices = #map1}]} {
    %mul3A = arith.constant 16 : i32
    %mul3A_0 = arith.muli %arg0, %mul3A : i32
    %add3A = arith.addi %mul3A_0, %arg1 : i32
    "tpu.region"() ({
      %run_scoped3A = tpu.sem_alloc : memref<!tpu.dma_semaphore, #tpu.memory_space<semaphore_mem>>
      %dma_start3A = arith.constant 0 : i32
      %dma_start3A_9 = arith.constant 0 : i32
      %dma_start3A_10 = tpu.memref_slice %arg3[%add3A, %dma_start3A, %dma_start3A_9] : memref<32x79x128xi32, #tpu.memory_space<hbm>> -> memref<1x79x128xi32, #tpu.memory_space<hbm>>
      %dma_start3A_11 = tpu.memref_squeeze %dma_start3A_10 : memref<1x79x128xi32, #tpu.memory_space<hbm>> -> memref<79x128xi32, #tpu.memory_space<hbm>>
      %dma_start3A_12 = arith.constant 0 : i32
      %dma_start3A_13 = arith.constant 0 : i32
      %dma_start3A_14 = tpu.memref_slice %arg3[%add3A, %dma_start3A_12, %dma_start3A_13] : memref<32x79x128xi32, #tpu.memory_space<hbm>> -> memref<1x79x128xi32, #tpu.memory_space<hbm>>
      %dma_start3A_15 = tpu.memref_squeeze %dma_start3A_14 : memref<1x79x128xi32, #tpu.memory_space<hbm>> -> memref<79x128xi32, #tpu.memory_space<hbm>>
      tpu.enqueue_dma source(%dma_start3A_15 : memref<79x128xi32, #tpu.memory_space<hbm>>) target(%arg6 : memref<79x128xi32, #tpu.memory_space<vmem>>) target_semaphore(%run_scoped3A : memref<!tpu.dma_semaphore, #tpu.memory_space<semaphore_mem>>)
      %dma_wait3A = arith.constant 0 : i32
      %dma_wait3A_16 = arith.constant 0 : i32
      %dma_wait3A_17 = tpu.memref_slice %arg3[%add3A, %dma_wait3A, %dma_wait3A_16] : memref<32x79x128xi32, #tpu.memory_space<hbm>> -> memref<1x79x128xi32, #tpu.memory_space<hbm>>
      %dma_wait3A_18 = tpu.memref_squeeze %dma_wait3A_17 : memref<1x79x128xi32, #tpu.memory_space<hbm>> -> memref<79x128xi32, #tpu.memory_space<hbm>>
      %dma_wait3A_19 = arith.constant 0 : i32
      %dma_wait3A_20 = arith.constant 0 : i32
      %dma_wait3A_21 = tpu.memref_slice %arg3[%add3A, %dma_wait3A_19, %dma_wait3A_20] : memref<32x79x128xi32, #tpu.memory_space<hbm>> -> memref<1x79x128xi32, #tpu.memory_space<hbm>>
      %dma_wait3A_22 = tpu.memref_squeeze %dma_wait3A_21 : memref<1x79x128xi32, #tpu.memory_space<hbm>> -> memref<79x128xi32, #tpu.memory_space<hbm>>
      tpu.wait_dma2 semaphore(%run_scoped3A : memref<!tpu.dma_semaphore, #tpu.memory_space<semaphore_mem>>) src(%dma_wait3A_22 : memref<79x128xi32, #tpu.memory_space<hbm>>) dst(%arg6 : memref<79x128xi32, #tpu.memory_space<vmem>>)
      tpu.yield
    }) : () -> ()
    "tpu.region"() ({
      %run_scoped3A = tpu.sem_alloc : memref<!tpu.dma_semaphore, #tpu.memory_space<semaphore_mem>>
      %dma_start3A = arith.constant 0 : i32
      %dma_start3A_9 = arith.constant 0 : i32
      %dma_start3A_10 = tpu.memref_slice %arg4[%add3A, %dma_start3A, %dma_start3A_9] : memref<32x79x128xi32, #tpu.memory_space<hbm>> -> memref<1x79x128xi32, #tpu.memory_space<hbm>>
      %dma_start3A_11 = tpu.memref_squeeze %dma_start3A_10 : memref<1x79x128xi32, #tpu.memory_space<hbm>> -> memref<79x128xi32, #tpu.memory_space<hbm>>
      %dma_start3A_12 = arith.constant 0 : i32
      %dma_start3A_13 = arith.constant 0 : i32
      %dma_start3A_14 = tpu.memref_slice %arg4[%add3A, %dma_start3A_12, %dma_start3A_13] : memref<32x79x128xi32, #tpu.memory_space<hbm>> -> memref<1x79x128xi32, #tpu.memory_space<hbm>>
      %dma_start3A_15 = tpu.memref_squeeze %dma_start3A_14 : memref<1x79x128xi32, #tpu.memory_space<hbm>> -> memref<79x128xi32, #tpu.memory_space<hbm>>
      tpu.enqueue_dma source(%dma_start3A_15 : memref<79x128xi32, #tpu.memory_space<hbm>>) target(%arg7 : memref<79x128xi32, #tpu.memory_space<vmem>>) target_semaphore(%run_scoped3A : memref<!tpu.dma_semaphore, #tpu.memory_space<semaphore_mem>>)
      %dma_wait3A = arith.constant 0 : i32
      %dma_wait3A_16 = arith.constant 0 : i32
      %dma_wait3A_17 = tpu.memref_slice %arg4[%add3A, %dma_wait3A, %dma_wait3A_16] : memref<32x79x128xi32, #tpu.memory_space<hbm>> -> memref<1x79x128xi32, #tpu.memory_space<hbm>>
      %dma_wait3A_18 = tpu.memref_squeeze %dma_wait3A_17 : memref<1x79x128xi32, #tpu.memory_space<hbm>> -> memref<79x128xi32, #tpu.memory_space<hbm>>
      %dma_wait3A_19 = arith.constant 0 : i32
      %dma_wait3A_20 = arith.constant 0 : i32
      %dma_wait3A_21 = tpu.memref_slice %arg4[%add3A, %dma_wait3A_19, %dma_wait3A_20] : memref<32x79x128xi32, #tpu.memory_space<hbm>> -> memref<1x79x128xi32, #tpu.memory_space<hbm>>
      %dma_wait3A_22 = tpu.memref_squeeze %dma_wait3A_21 : memref<1x79x128xi32, #tpu.memory_space<hbm>> -> memref<79x128xi32, #tpu.memory_space<hbm>>
      tpu.wait_dma2 semaphore(%run_scoped3A : memref<!tpu.dma_semaphore, #tpu.memory_space<semaphore_mem>>) src(%dma_wait3A_22 : memref<79x128xi32, #tpu.memory_space<hbm>>) dst(%arg7 : memref<79x128xi32, #tpu.memory_space<vmem>>)
      tpu.yield
    }) : () -> ()
    %mul3A_1 = arith.constant 632 : i32
    %mul3A_2 = arith.muli %arg1, %mul3A_1 : i32
    "tpu.region"() ({
      %run_scoped3A = tpu.sem_alloc : memref<!tpu.dma_semaphore, #tpu.memory_space<semaphore_mem>>
      %dma_start3A = arith.constant 0 : i32
      %dma_start3A_9 = tpu.memref_slice %arg11[%mul3A_2, %dma_start3A] : memref<10112x128xf32, #tpu.memory_space<vmem_shared>> -> memref<632x128xf32, #tpu.memory_space<vmem_shared>>
      %dma_start3A_10 = arith.constant 0 : i32
      %dma_start3A_11 = tpu.memref_slice %arg2[%mul3A_2, %dma_start3A_10] : memref<10112x128xf32, #tpu.memory_space<hbm>> -> memref<632x128xf32, #tpu.memory_space<hbm>>
      tpu.enqueue_dma source(%dma_start3A_11 : memref<632x128xf32, #tpu.memory_space<hbm>>) target(%dma_start3A_9 : memref<632x128xf32, #tpu.memory_space<vmem_shared>>) target_semaphore(%run_scoped3A : memref<!tpu.dma_semaphore, #tpu.memory_space<semaphore_mem>>)
      %dma_wait3A = arith.constant 0 : i32
      %dma_wait3A_12 = tpu.memref_slice %arg11[%mul3A_2, %dma_wait3A] : memref<10112x128xf32, #tpu.memory_space<vmem_shared>> -> memref<632x128xf32, #tpu.memory_space<vmem_shared>>
      %dma_wait3A_13 = arith.constant 0 : i32
      %dma_wait3A_14 = tpu.memref_slice %arg2[%mul3A_2, %dma_wait3A_13] : memref<10112x128xf32, #tpu.memory_space<hbm>> -> memref<632x128xf32, #tpu.memory_space<hbm>>
      tpu.wait_dma2 semaphore(%run_scoped3A : memref<!tpu.dma_semaphore, #tpu.memory_space<semaphore_mem>>) src(%dma_wait3A_14 : memref<632x128xf32, #tpu.memory_space<hbm>>) dst(%dma_wait3A_12 : memref<632x128xf32, #tpu.memory_space<vmem_shared>>)
      tpu.yield
    }) : () -> ()
    %barrier3A = arith.constant 0 : index
    tpu.barrier barrier_id(%barrier3A)
    %scan3A = arith.constant 0 : i32
    %scan3A_3 = arith.constant 0 : i32
    %scan3A_4 = arith.constant 79 : i32
    %scan3A_5 = arith.addi %scan3A_3, %scan3A_4 : i32
    %scan3A_6 = arith.constant 1 : i32
    scf.for %scan3A_9 = %scan3A_3 to %scan3A_5 step %scan3A_6  : i32 {
      %dma_start3A = arith.constant 0 : i32
      %dma_start3A_10 = arith.constant 0 : i32
      %dma_start3A_11 = tpu.memref_slice %arg8[%dma_start3A, %dma_start3A_10] : memref<128x128xf32, #tpu.memory_space<vmem>> -> memref<64x128xf32, #tpu.memory_space<vmem>>
      %dma_start3A_12 = arith.constant 0 : i32
      %dma_start3A_13 = tpu.memref_slice %arg6[%scan3A_9, %dma_start3A_12] : memref<79x128xi32, #tpu.memory_space<vmem>> -> memref<1x64xi32, #tpu.memory_space<vmem>>
      %dma_start3A_14 = tpu.memref_squeeze %dma_start3A_13 : memref<1x64xi32, #tpu.memory_space<vmem>> -> memref<64xi32, #tpu.memory_space<vmem>>
      %dma_start3A_15 = arith.constant 0 : i32
      %dma_start3A_16 = arith.constant 0 : i32
      %dma_start3A_17 = tpu.memref_slice %arg2[%dma_start3A_15, %dma_start3A_16] : memref<10112x128xf32, #tpu.memory_space<hbm>> -> memref<10112x128xf32, #tpu.memory_space<hbm>>
      tpu.enqueue_indirect_dma source(%dma_start3A_17 : memref<10112x128xf32, #tpu.memory_space<hbm>>) target(%dma_start3A_11 : memref<64x128xf32, #tpu.memory_space<vmem>>) offsets(%dma_start3A_14 : memref<64xi32, #tpu.memory_space<vmem>>) semaphore(%arg9 : memref<!tpu.dma_semaphore, #tpu.memory_space<semaphore_mem>>)
      %dma_start3A_18 = arith.constant 64 : i32
      %dma_start3A_19 = arith.constant 0 : i32
      %dma_start3A_20 = tpu.memref_slice %arg8[%dma_start3A_18, %dma_start3A_19] : memref<128x128xf32, #tpu.memory_space<vmem>> -> memref<64x128xf32, #tpu.memory_space<vmem>>
      %dma_start3A_21 = arith.constant 64 : i32
      %dma_start3A_22 = tpu.memref_slice %arg6[%scan3A_9, %dma_start3A_21] : memref<79x128xi32, #tpu.memory_space<vmem>> -> memref<1x64xi32, #tpu.memory_space<vmem>>
      %dma_start3A_23 = tpu.memref_squeeze %dma_start3A_22 : memref<1x64xi32, #tpu.memory_space<vmem>> -> memref<64xi32, #tpu.memory_space<vmem>>
      %dma_start3A_24 = arith.constant 0 : i32
      %dma_start3A_25 = arith.constant 0 : i32
      %dma_start3A_26 = tpu.memref_slice %arg2[%dma_start3A_24, %dma_start3A_25] : memref<10112x128xf32, #tpu.memory_space<hbm>> -> memref<10112x128xf32, #tpu.memory_space<hbm>>
      tpu.enqueue_indirect_dma source(%dma_start3A_26 : memref<10112x128xf32, #tpu.memory_space<hbm>>) target(%dma_start3A_20 : memref<64x128xf32, #tpu.memory_space<vmem>>) offsets(%dma_start3A_23 : memref<64xi32, #tpu.memory_space<vmem>>) semaphore(%arg10 : memref<!tpu.dma_semaphore, #tpu.memory_space<semaphore_mem>>)
      %dma_wait3A = arith.constant 0 : i32
      %dma_wait3A_27 = arith.constant 0 : i32
      %dma_wait3A_28 = tpu.memref_slice %arg8[%dma_wait3A, %dma_wait3A_27] : memref<128x128xf32, #tpu.memory_space<vmem>> -> memref<64x128xf32, #tpu.memory_space<vmem>>
      %dma_wait3A_29 = arith.constant 0 : i32
      %dma_wait3A_30 = tpu.memref_slice %arg6[%scan3A_9, %dma_wait3A_29] : memref<79x128xi32, #tpu.memory_space<vmem>> -> memref<1x64xi32, #tpu.memory_space<vmem>>
      %dma_wait3A_31 = tpu.memref_squeeze %dma_wait3A_30 : memref<1x64xi32, #tpu.memory_space<vmem>> -> memref<64xi32, #tpu.memory_space<vmem>>
      %dma_wait3A_32 = arith.constant 0 : i32
      %dma_wait3A_33 = arith.constant 0 : i32
      %dma_wait3A_34 = tpu.memref_slice %arg2[%dma_wait3A_32, %dma_wait3A_33] : memref<10112x128xf32, #tpu.memory_space<hbm>> -> memref<10112x128xf32, #tpu.memory_space<hbm>>
      tpu.wait_indirect_dma semaphore(%arg9 : memref<!tpu.dma_semaphore, #tpu.memory_space<semaphore_mem>>) src(%dma_wait3A_34 : memref<10112x128xf32, #tpu.memory_space<hbm>>) dst(%dma_wait3A_28 : memref<64x128xf32, #tpu.memory_space<vmem>>)
      %dma_wait3A_35 = arith.constant 64 : i32
      %dma_wait3A_36 = arith.constant 0 : i32
      %dma_wait3A_37 = tpu.memref_slice %arg8[%dma_wait3A_35, %dma_wait3A_36] : memref<128x128xf32, #tpu.memory_space<vmem>> -> memref<64x128xf32, #tpu.memory_space<vmem>>
      %dma_wait3A_38 = arith.constant 64 : i32
      %dma_wait3A_39 = tpu.memref_slice %arg6[%scan3A_9, %dma_wait3A_38] : memref<79x128xi32, #tpu.memory_space<vmem>> -> memref<1x64xi32, #tpu.memory_space<vmem>>
      %dma_wait3A_40 = tpu.memref_squeeze %dma_wait3A_39 : memref<1x64xi32, #tpu.memory_space<vmem>> -> memref<64xi32, #tpu.memory_space<vmem>>
      %dma_wait3A_41 = arith.constant 0 : i32
      %dma_wait3A_42 = arith.constant 0 : i32
      %dma_wait3A_43 = tpu.memref_slice %arg2[%dma_wait3A_41, %dma_wait3A_42] : memref<10112x128xf32, #tpu.memory_space<hbm>> -> memref<10112x128xf32, #tpu.memory_space<hbm>>
      tpu.wait_indirect_dma semaphore(%arg10 : memref<!tpu.dma_semaphore, #tpu.memory_space<semaphore_mem>>) src(%dma_wait3A_43 : memref<10112x128xf32, #tpu.memory_space<hbm>>) dst(%dma_wait3A_37 : memref<64x128xf32, #tpu.memory_space<vmem>>)
      "tpu.region"() ({
        %run_scoped3A = tpu.sem_alloc : memref<!tpu.dma_semaphore, #tpu.memory_space<semaphore_mem>>
        %dma_start3A_44 = arith.constant 0 : i32
        %dma_start3A_45 = tpu.memref_slice %arg7[%scan3A_9, %dma_start3A_44] : memref<79x128xi32, #tpu.memory_space<vmem>> -> memref<1x128xi32, #tpu.memory_space<vmem>>
        %dma_start3A_46 = tpu.memref_squeeze %dma_start3A_45 : memref<1x128xi32, #tpu.memory_space<vmem>> -> memref<128xi32, #tpu.memory_space<vmem>>
        %dma_start3A_47 = arith.constant 0 : i32
        %dma_start3A_48 = arith.constant 0 : i32
        %dma_start3A_49 = tpu.memref_slice %arg11[%dma_start3A_47, %dma_start3A_48] : memref<10112x128xf32, #tpu.memory_space<vmem_shared>> -> memref<10112x128xf32, #tpu.memory_space<vmem_shared>>
        tpu.enqueue_indirect_dma source(%arg8 : memref<128x128xf32, #tpu.memory_space<vmem>>) target(%dma_start3A_49 : memref<10112x128xf32, #tpu.memory_space<vmem_shared>>) offsets(%dma_start3A_46 : memref<128xi32, #tpu.memory_space<vmem>>) semaphore(%run_scoped3A : memref<!tpu.dma_semaphore, #tpu.memory_space<semaphore_mem>>) {add = true}
        %dma_wait3A_50 = arith.constant 0 : i32
        %dma_wait3A_51 = tpu.memref_slice %arg7[%scan3A_9, %dma_wait3A_50] : memref<79x128xi32, #tpu.memory_space<vmem>> -> memref<1x128xi32, #tpu.memory_space<vmem>>
        %dma_wait3A_52 = tpu.memref_squeeze %dma_wait3A_51 : memref<1x128xi32, #tpu.memory_space<vmem>> -> memref<128xi32, #tpu.memory_space<vmem>>
        %dma_wait3A_53 = arith.constant 0 : i32
        %dma_wait3A_54 = arith.constant 0 : i32
        %dma_wait3A_55 = tpu.memref_slice %arg11[%dma_wait3A_53, %dma_wait3A_54] : memref<10112x128xf32, #tpu.memory_space<vmem_shared>> -> memref<10112x128xf32, #tpu.memory_space<vmem_shared>>
        tpu.wait_indirect_dma semaphore(%run_scoped3A : memref<!tpu.dma_semaphore, #tpu.memory_space<semaphore_mem>>) src(%arg8 : memref<128x128xf32, #tpu.memory_space<vmem>>) dst(%dma_wait3A_55 : memref<10112x128xf32, #tpu.memory_space<vmem_shared>>)
        tpu.yield
      }) : () -> ()
    }
    %scan3A_7 = arith.constant 79 : i32
    %barrier3A_8 = arith.constant 0 : index
    tpu.barrier barrier_id(%barrier3A_8)
    "tpu.region"() ({
      %run_scoped3A = tpu.sem_alloc : memref<!tpu.dma_semaphore, #tpu.memory_space<semaphore_mem>>
      %dma_start3A = arith.constant 0 : i32
      %dma_start3A_9 = tpu.memref_slice %arg5[%arg0, %mul3A_2, %dma_start3A] : memref<2x10112x128xf32, #tpu.memory_space<hbm>> -> memref<1x632x128xf32, #tpu.memory_space<hbm>>
      %dma_start3A_10 = tpu.memref_squeeze %dma_start3A_9 : memref<1x632x128xf32, #tpu.memory_space<hbm>> -> memref<632x128xf32, #tpu.memory_space<hbm>>
      %dma_start3A_11 = arith.constant 0 : i32
      %dma_start3A_12 = tpu.memref_slice %arg11[%mul3A_2, %dma_start3A_11] : memref<10112x128xf32, #tpu.memory_space<vmem_shared>> -> memref<632x128xf32, #tpu.memory_space<vmem_shared>>
      tpu.enqueue_dma source(%dma_start3A_12 : memref<632x128xf32, #tpu.memory_space<vmem_shared>>) target(%dma_start3A_10 : memref<632x128xf32, #tpu.memory_space<hbm>>) target_semaphore(%run_scoped3A : memref<!tpu.dma_semaphore, #tpu.memory_space<semaphore_mem>>)
      %dma_wait3A = arith.constant 0 : i32
      %dma_wait3A_13 = tpu.memref_slice %arg5[%arg0, %mul3A_2, %dma_wait3A] : memref<2x10112x128xf32, #tpu.memory_space<hbm>> -> memref<1x632x128xf32, #tpu.memory_space<hbm>>
      %dma_wait3A_14 = tpu.memref_squeeze %dma_wait3A_13 : memref<1x632x128xf32, #tpu.memory_space<hbm>> -> memref<632x128xf32, #tpu.memory_space<hbm>>
      %dma_wait3A_15 = arith.constant 0 : i32
      %dma_wait3A_16 = tpu.memref_slice %arg11[%mul3A_2, %dma_wait3A_15] : memref<10112x128xf32, #tpu.memory_space<vmem_shared>> -> memref<632x128xf32, #tpu.memory_space<vmem_shared>>
      tpu.wait_dma2 semaphore(%run_scoped3A : memref<!tpu.dma_semaphore, #tpu.memory_space<semaphore_mem>>) src(%dma_wait3A_16 : memref<632x128xf32, #tpu.memory_space<vmem_shared>>) dst(%dma_wait3A_14 : memref<632x128xf32, #tpu.memory_space<hbm>>)
      tpu.yield
    }) : () -> ()
    return
  }
}

module attributes {stable_mosaic.version = 14 : i64} {
  func.func @_mm_body(%arg0: i32, %arg1: memref<2528x128xf32, #tpu.memory_space<vmem>>, %arg2: memref<128x128xf32, #tpu.memory_space<vmem>>, %arg3: memref<2528x128xf32, #tpu.memory_space<vmem>>) attributes {dimension_semantics = [#tpu.dimension_semantics<arbitrary>], iteration_bounds = array<i64: 4>, scalar_prefetch = 0 : i64, scratch_operands = 0 : i64, tpu.core_type = #tpu.core_type<tc>, window_params = [{transform_indices = @transform_0, window_bounds = array<i64: 2528, 128>}, {pipeline_mode = #tpu.pipeline_mode<synchronous>, transform_indices = @transform_1, window_bounds = array<i64: 128, 128>}, {transform_indices = @transform_2, window_bounds = array<i64: 2528, 128>}]} {
    %get3A = arith.constant 0 : index
    %get3A_0 = arith.constant 0 : index
    %get3A_1 = vector.load %arg1[%get3A, %get3A_0] : memref<2528x128xf32, #tpu.memory_space<vmem>>, vector<2528x128xf32>
    %get3A_2 = arith.constant 0 : index
    %get3A_3 = arith.constant 0 : index
    %get3A_4 = vector.load %arg2[%get3A_2, %get3A_3] : memref<128x128xf32, #tpu.memory_space<vmem>>, vector<128x128xf32>
    %dot_general3A = arith.constant dense<0.000000e+00> : vector<2528x128xf32>
    %dot_general3A_5 = tpu.matmul %get3A_1, %get3A_4, %dot_general3A {dimension_numbers = #tpu.dot_dimension_numbers<[1], [0], [0], [1], [0, 0, 1, 1], [], []>, precision = #tpu.contract_precision<fp32>, transpose_lhs_hint = false} : vector<2528x128xf32>, vector<128x128xf32>, vector<2528x128xf32> -> vector<2528x128xf32>
    %swap3A = arith.constant 0 : index
    %swap3A_6 = arith.constant 0 : index
    %swap3A_7 = vector.load %arg3[%swap3A, %swap3A_6] : memref<2528x128xf32, #tpu.memory_space<vmem>>, vector<2528x128xf32>
    tpu.vector_store %arg3[%swap3A, %swap3A_6], %dot_general3A_5 {strides = array<i32>} : memref<2528x128xf32, #tpu.memory_space<vmem>>, vector<2528x128xf32>,
    return
  }
  func.func @transform_0(%arg0: i32) -> (i32, i32) {
    %c0_i32 = arith.constant 0 : i32
    %c0_i32_0 = arith.constant 0 : i32
    return %arg0, %c0_i32 : i32, i32
  }
  func.func @transform_1(%arg0: i32) -> (i32, i32) {
    %c0_i32 = arith.constant 0 : i32
    %c0_i32_0 = arith.constant 0 : i32
    %c0_i32_1 = arith.constant 0 : i32
    return %c0_i32, %c0_i32_0 : i32, i32
  }
  func.func @transform_2(%arg0: i32) -> (i32, i32) {
    %c0_i32 = arith.constant 0 : i32
    %c0_i32_0 = arith.constant 0 : i32
    return %arg0, %c0_i32 : i32, i32
  }
}

module attributes {stable_mosaic.version = 14 : i64} {
  func.func @_mid_body(%arg0: i32, %arg1: memref<2x2528x128xf32, #tpu.memory_space<vmem>>, %arg2: memref<2528x128xf32, #tpu.memory_space<vmem>>, %arg3: memref<2x2528x128xf32, #tpu.memory_space<vmem>>, %arg4: memref<2528x128xf32, #tpu.memory_space<vmem>>, %arg5: memref<1x128xf32, #tpu.memory_space<vmem>>, %arg6: memref<128x128xf32, #tpu.memory_space<vmem>>, %arg7: memref<2528x128xf32, #tpu.memory_space<vmem>>) attributes {dimension_semantics = [#tpu.dimension_semantics<arbitrary>], iteration_bounds = array<i64: 4>, scalar_prefetch = 0 : i64, scratch_operands = 0 : i64, tpu.core_type = #tpu.core_type<tc>, window_params = [{transform_indices = @transform_0, window_bounds = array<i64: 2, 2528, 128>}, {transform_indices = @transform_1, window_bounds = array<i64: 2528, 128>}, {transform_indices = @transform_2, window_bounds = array<i64: 2, 2528, 128>}, {transform_indices = @transform_3, window_bounds = array<i64: 2528, 128>}, {pipeline_mode = #tpu.pipeline_mode<synchronous>, transform_indices = @transform_4, window_bounds = array<i64: 1, 128>}, {pipeline_mode = #tpu.pipeline_mode<synchronous>, transform_indices = @transform_5, window_bounds = array<i64: 128, 128>}, {transform_indices = @transform_6, window_bounds = array<i64: 2528, 128>}]} {
    %get3A = arith.constant 0 : index
    %get3A_0 = arith.constant 0 : index
    %get3A_1 = arith.constant 0 : index
    %get3A_2 = vector.load %arg1[%get3A, %get3A_0, %get3A_1] : memref<2x2528x128xf32, #tpu.memory_space<vmem>>, vector<1x2528x128xf32>
    %get3A_3 = vector.shape_cast %get3A_2 : vector<1x2528x128xf32> to vector<2528x128xf32>
    %get3A_4 = arith.constant 1 : index
    %get3A_5 = arith.constant 0 : index
    %get3A_6 = arith.constant 0 : index
    %get3A_7 = vector.load %arg1[%get3A_4, %get3A_5, %get3A_6] : memref<2x2528x128xf32, #tpu.memory_space<vmem>>, vector<1x2528x128xf32>
    %get3A_8 = vector.shape_cast %get3A_7 : vector<1x2528x128xf32> to vector<2528x128xf32>
    %add3A = arith.addf %get3A_3, %get3A_8 : vector<2528x128xf32>
    %get3A_9 = arith.constant 0 : index
    %get3A_10 = arith.constant 0 : index
    %get3A_11 = vector.load %arg2[%get3A_9, %get3A_10] : memref<2528x128xf32, #tpu.memory_space<vmem>>, vector<2528x128xf32>
    %sub3A = arith.subf %add3A, %get3A_11 : vector<2528x128xf32>
    %get3A_12 = arith.constant 0 : index
    %get3A_13 = arith.constant 0 : index
    %get3A_14 = arith.constant 0 : index
    %get3A_15 = vector.load %arg3[%get3A_12, %get3A_13, %get3A_14] : memref<2x2528x128xf32, #tpu.memory_space<vmem>>, vector<1x2528x1xf32>
    %get3A_16 = vector.shape_cast %get3A_15 : vector<1x2528x1xf32> to vector<2528x1xf32>
    %get3A_17 = arith.constant 1 : index
    %get3A_18 = arith.constant 0 : index
    %get3A_19 = arith.constant 0 : index
    %get3A_20 = vector.load %arg3[%get3A_17, %get3A_18, %get3A_19] : memref<2x2528x128xf32, #tpu.memory_space<vmem>>, vector<1x2528x1xf32>
    %get3A_21 = vector.shape_cast %get3A_20 : vector<1x2528x1xf32> to vector<2528x1xf32>
    %add3A_22 = arith.addf %get3A_16, %get3A_21 : vector<2528x1xf32>
    %get3A_23 = arith.constant 0 : index
    %get3A_24 = arith.constant 0 : index
    %get3A_25 = vector.load %arg4[%get3A_23, %get3A_24] : memref<2528x128xf32, #tpu.memory_space<vmem>>, vector<2528x1xf32>
    %mul3A = arith.constant 2.000000e+00 : f32
    %mul3A_26 = vector.broadcast %mul3A : f32 to vector<2528x1xf32>
    %mul3A_27 = arith.mulf %mul3A_26, %get3A_25 : vector<2528x1xf32>
    %sub3A_28 = arith.subf %add3A_22, %mul3A_27 : vector<2528x1xf32>
    %add3A_29 = arith.constant 1.000000e+00 : f32
    %add3A_30 = vector.broadcast %add3A_29 : f32 to vector<2528x1xf32>
    %add3A_31 = arith.addf %sub3A_28, %add3A_30 : vector<2528x1xf32>
    %div3A = vector.broadcast %add3A_31 : vector<2528x1xf32> to vector<2528x128xf32>
    %div3A_32 = arith.divf %sub3A, %div3A : vector<2528x128xf32>
    %get3A_33 = arith.constant 0 : index
    %get3A_34 = arith.constant 0 : index
    %get3A_35 = vector.load %arg5[%get3A_33, %get3A_34] : memref<1x128xf32, #tpu.memory_space<vmem>>, vector<1x128xf32>
    %add3A_36 = vector.broadcast %get3A_35 : vector<1x128xf32> to vector<2528x128xf32>
    %add3A_37 = arith.addf %div3A_32, %add3A_36 : vector<2528x128xf32>
    %max3A = arith.constant 0.000000e+00 : f32
    %max3A_38 = vector.broadcast %max3A : f32 to vector<2528x128xf32>
    %max3A_39 = arith.maximumf %add3A_37, %max3A_38 : vector<2528x128xf32>
    %get3A_40 = arith.constant 0 : index
    %get3A_41 = arith.constant 0 : index
    %get3A_42 = vector.load %arg6[%get3A_40, %get3A_41] : memref<128x128xf32, #tpu.memory_space<vmem>>, vector<128x128xf32>
    %dot_general3A = arith.constant dense<0.000000e+00> : vector<2528x128xf32>
    %dot_general3A_43 = tpu.matmul %max3A_39, %get3A_42, %dot_general3A {dimension_numbers = #tpu.dot_dimension_numbers<[1], [0], [0], [1], [0, 0, 1, 1], [], []>, precision = #tpu.contract_precision<fp32>, transpose_lhs_hint = false} : vector<2528x128xf32>, vector<128x128xf32>, vector<2528x128xf32> -> vector<2528x128xf32>
    %swap3A = arith.constant 0 : index
    %swap3A_44 = arith.constant 0 : index
    %swap3A_45 = vector.load %arg7[%swap3A, %swap3A_44] : memref<2528x128xf32, #tpu.memory_space<vmem>>, vector<2528x128xf32>
    tpu.vector_store %arg7[%swap3A, %swap3A_44], %dot_general3A_43 {strides = array<i32>} : memref<2528x128xf32, #tpu.memory_space<vmem>>, vector<2528x128xf32>,
    return
  }
  func.func @transform_0(%arg0: i32) -> (i32, i32, i32) {
    %c0_i32 = arith.constant 0 : i32
    %c0_i32_0 = arith.constant 0 : i32
    %c0_i32_1 = arith.constant 0 : i32
    return %c0_i32, %arg0, %c0_i32_0 : i32, i32, i32
  }
  func.func @transform_1(%arg0: i32) -> (i32, i32) {
    %c0_i32 = arith.constant 0 : i32
    %c0_i32_0 = arith.constant 0 : i32
    return %arg0, %c0_i32 : i32, i32
  }
  func.func @transform_2(%arg0: i32) -> (i32, i32, i32) {
    %c0_i32 = arith.constant 0 : i32
    %c0_i32_0 = arith.constant 0 : i32
    %c0_i32_1 = arith.constant 0 : i32
    return %c0_i32, %arg0, %c0_i32_0 : i32, i32, i32
  }
  func.func @transform_3(%arg0: i32) -> (i32, i32) {
    %c0_i32 = arith.constant 0 : i32
    %c0_i32_0 = arith.constant 0 : i32
    return %arg0, %c0_i32 : i32, i32
  }
  func.func @transform_4(%arg0: i32) -> (i32, i32) {
    %c0_i32 = arith.constant 0 : i32
    %c0_i32_0 = arith.constant 0 : i32
    %c0_i32_1 = arith.constant 0 : i32
    return %c0_i32, %c0_i32_0 : i32, i32
  }
  func.func @transform_5(%arg0: i32) -> (i32, i32) {
    %c0_i32 = arith.constant 0 : i32
    %c0_i32_0 = arith.constant 0 : i32
    %c0_i32_1 = arith.constant 0 : i32
    return %c0_i32, %c0_i32_0 : i32, i32
  }
  func.func @transform_6(%arg0: i32) -> (i32, i32) {
    %c0_i32 = arith.constant 0 : i32
    %c0_i32_0 = arith.constant 0 : i32
    return %arg0, %c0_i32 : i32, i32
  }
}

module attributes {stable_mosaic.version = 14 : i64} {
  func.func @_fin_body(%arg0: i32, %arg1: memref<2x2528x128xf32, #tpu.memory_space<vmem>>, %arg2: memref<2528x128xf32, #tpu.memory_space<vmem>>, %arg3: memref<2x2528x128xf32, #tpu.memory_space<vmem>>, %arg4: memref<2528x128xf32, #tpu.memory_space<vmem>>, %arg5: memref<1x128xf32, #tpu.memory_space<vmem>>, %arg6: memref<2528x128xf32, #tpu.memory_space<vmem>>) attributes {dimension_semantics = [#tpu.dimension_semantics<arbitrary>], iteration_bounds = array<i64: 4>, scalar_prefetch = 0 : i64, scratch_operands = 0 : i64, tpu.core_type = #tpu.core_type<tc>, window_params = [{transform_indices = @transform_0, window_bounds = array<i64: 2, 2528, 128>}, {transform_indices = @transform_1, window_bounds = array<i64: 2528, 128>}, {transform_indices = @transform_2, window_bounds = array<i64: 2, 2528, 128>}, {transform_indices = @transform_3, window_bounds = array<i64: 2528, 128>}, {pipeline_mode = #tpu.pipeline_mode<synchronous>, transform_indices = @transform_4, window_bounds = array<i64: 1, 128>}, {transform_indices = @transform_5, window_bounds = array<i64: 2528, 128>}]} {
    %get3A = arith.constant 0 : index
    %get3A_0 = arith.constant 0 : index
    %get3A_1 = arith.constant 0 : index
    %get3A_2 = vector.load %arg1[%get3A, %get3A_0, %get3A_1] : memref<2x2528x128xf32, #tpu.memory_space<vmem>>, vector<1x2528x128xf32>
    %get3A_3 = vector.shape_cast %get3A_2 : vector<1x2528x128xf32> to vector<2528x128xf32>
    %get3A_4 = arith.constant 1 : index
    %get3A_5 = arith.constant 0 : index
    %get3A_6 = arith.constant 0 : index
    %get3A_7 = vector.load %arg1[%get3A_4, %get3A_5, %get3A_6] : memref<2x2528x128xf32, #tpu.memory_space<vmem>>, vector<1x2528x128xf32>
    %get3A_8 = vector.shape_cast %get3A_7 : vector<1x2528x128xf32> to vector<2528x128xf32>
    %add3A = arith.addf %get3A_3, %get3A_8 : vector<2528x128xf32>
    %get3A_9 = arith.constant 0 : index
    %get3A_10 = arith.constant 0 : index
    %get3A_11 = vector.load %arg2[%get3A_9, %get3A_10] : memref<2528x128xf32, #tpu.memory_space<vmem>>, vector<2528x128xf32>
    %sub3A = arith.subf %add3A, %get3A_11 : vector<2528x128xf32>
    %get3A_12 = arith.constant 0 : index
    %get3A_13 = arith.constant 0 : index
    %get3A_14 = arith.constant 0 : index
    %get3A_15 = vector.load %arg3[%get3A_12, %get3A_13, %get3A_14] : memref<2x2528x128xf32, #tpu.memory_space<vmem>>, vector<1x2528x1xf32>
    %get3A_16 = vector.shape_cast %get3A_15 : vector<1x2528x1xf32> to vector<2528x1xf32>
    %get3A_17 = arith.constant 1 : index
    %get3A_18 = arith.constant 0 : index
    %get3A_19 = arith.constant 0 : index
    %get3A_20 = vector.load %arg3[%get3A_17, %get3A_18, %get3A_19] : memref<2x2528x128xf32, #tpu.memory_space<vmem>>, vector<1x2528x1xf32>
    %get3A_21 = vector.shape_cast %get3A_20 : vector<1x2528x1xf32> to vector<2528x1xf32>
    %add3A_22 = arith.addf %get3A_16, %get3A_21 : vector<2528x1xf32>
    %get3A_23 = arith.constant 0 : index
    %get3A_24 = arith.constant 0 : index
    %get3A_25 = vector.load %arg4[%get3A_23, %get3A_24] : memref<2528x128xf32, #tpu.memory_space<vmem>>, vector<2528x1xf32>
    %mul3A = arith.constant 2.000000e+00 : f32
    %mul3A_26 = vector.broadcast %mul3A : f32 to vector<2528x1xf32>
    %mul3A_27 = arith.mulf %mul3A_26, %get3A_25 : vector<2528x1xf32>
    %sub3A_28 = arith.subf %add3A_22, %mul3A_27 : vector<2528x1xf32>
    %add3A_29 = arith.constant 1.000000e+00 : f32
    %add3A_30 = vector.broadcast %add3A_29 : f32 to vector<2528x1xf32>
    %add3A_31 = arith.addf %sub3A_28, %add3A_30 : vector<2528x1xf32>
    %div3A = vector.broadcast %add3A_31 : vector<2528x1xf32> to vector<2528x128xf32>
    %div3A_32 = arith.divf %sub3A, %div3A : vector<2528x128xf32>
    %get3A_33 = arith.constant 0 : index
    %get3A_34 = arith.constant 0 : index
    %get3A_35 = vector.load %arg5[%get3A_33, %get3A_34] : memref<1x128xf32, #tpu.memory_space<vmem>>, vector<1x128xf32>
    %add3A_36 = vector.broadcast %get3A_35 : vector<1x128xf32> to vector<2528x128xf32>
    %add3A_37 = arith.addf %div3A_32, %add3A_36 : vector<2528x128xf32>
    %swap3A = arith.constant 0 : index
    %swap3A_38 = arith.constant 0 : index
    %swap3A_39 = vector.load %arg6[%swap3A, %swap3A_38] : memref<2528x128xf32, #tpu.memory_space<vmem>>, vector<2528x128xf32>
    tpu.vector_store %arg6[%swap3A, %swap3A_38], %add3A_37 {strides = array<i32>} : memref<2528x128xf32, #tpu.memory_space<vmem>>, vector<2528x128xf32>,
    return
  }
  func.func @transform_0(%arg0: i32) -> (i32, i32, i32) {
    %c0_i32 = arith.constant 0 : i32
    %c0_i32_0 = arith.constant 0 : i32
    %c0_i32_1 = arith.constant 0 : i32
    return %c0_i32, %arg0, %c0_i32_0 : i32, i32, i32
  }
  func.func @transform_1(%arg0: i32) -> (i32, i32) {
    %c0_i32 = arith.constant 0 : i32
    %c0_i32_0 = arith.constant 0 : i32
    return %arg0, %c0_i32 : i32, i32
  }
  func.func @transform_2(%arg0: i32) -> (i32, i32, i32) {
    %c0_i32 = arith.constant 0 : i32
    %c0_i32_0 = arith.constant 0 : i32
    %c0_i32_1 = arith.constant 0 : i32
    return %c0_i32, %arg0, %c0_i32_0 : i32, i32, i32
  }
  func.func @transform_3(%arg0: i32) -> (i32, i32) {
    %c0_i32 = arith.constant 0 : i32
    %c0_i32_0 = arith.constant 0 : i32
    return %arg0, %c0_i32 : i32, i32
  }
  func.func @transform_4(%arg0: i32) -> (i32, i32) {
    %c0_i32 = arith.constant 0 : i32
    %c0_i32_0 = arith.constant 0 : i32
    %c0_i32_1 = arith.constant 0 : i32
    return %c0_i32, %c0_i32_0 : i32, i32
  }
  func.func @transform_5(%arg0: i32) -> (i32, i32) {
    %c0_i32 = arith.constant 0 : i32
    %c0_i32_0 = arith.constant 0 : i32
    return %arg0, %c0_i32 : i32, i32
  }
}

</mosaic_0001>

<sc_bundles>
// kernel: kernel.11.cloned.1.call-start
scs
__scs_entry_jumppad:
0x0: {  	(pc) =	sbr.rel $0x88, $3  }
0x1: {  	(tag) =	ssettag $0x0;
	lr =	simm.s32 $0x1  }
0x2: {  	[smem:$0x3F9B] =	sst lr;
	_ =	strace $0xD0000000  }
0x3: {  	_ = 	snop  }
0x4: {  	_ = 	snop  }
0x5: {  	_ = 	snop  }
0x6: {  	_ = 	snop  }
0x7: {  	_ = 	snop  }
__scs_overlays_trampoline_lowered:
0x8: {  	[smem:$0x3FAA] =	sst s0  }
0x9: {  	[smem:$0x3FAB] =	sst s1  }
0xa: {  	[smem:$0x3FAC] =	sst s2  }
0xb: {  	[smem:$0x3FAD] =	sst s3  }
0xc: {  	[smem:$0x3FAE] =	sst s4  }
0xd: {  	[smem:$0x3FAF] =	sst s5  }
0xe: {  	[smem:$0x3FB0] =	sst s6  }
0xf: {  	[smem:$0x3FB1] =	sst s7  }
0x10: {  	[smem:$0x3FB2] =	sst s8  }
0x11: {  	[smem:$0x3FB3] =	sst s9;
	s0 =	simm.s32 @!p0 $0x0  }
0x12: {  	s1 =	sld [smem:$0x3F99];
	s0 =	simm.s32 @p0 $0x1  }
0x13: {  	[smem:$0x3FB4] =	sst s0;
	s0 =	simm.s32 @!p1 $0x0  }
0x14: {  	s2 =	sld [smem:$0x3F98];
	s0 =	simm.s32 @p1 $0x1  }
0x15: {  	[smem:$0x3FB5] =	sst s0;
	s0 =	simm.s32 @!p2 $0x0  }
0x16: {  	s3 =	sld [smem:$0x3FDB];
	s0 =	simm.s32 @p2 $0x1  }
0x17: {  	s4 =	simm.s32 $0x1BF5;
	[smem:$0x3FB7] =	sst s0  }
0x18: {  	s0 =	sld [smem:$0x3F9A];
	_ =	swait.ge [sflag:s4], $0x0  }
0x19: {  	s7 =	sld [smem:$0x3F9B]  }
0x1a: {  	s8 =	sadd.s32 $0xFFFFE003, lr  }
0x1b: {  	s9 =	sadd.s32 $0xFFFFFEF7, lr;
	s5 =	simm.s32 $0xFFFFFFFF;
	p2 =	slt.u32 s8, $0xFFFFF086  }
0x1c: {  	p1 =	slt.u32 s9, $0xF7A;
	s5 =	simm.s32 @!p2 $0x0  }
0x1d: {  	s5 =	simm.s32 @p1 $0x1;
	p0 =	seq.s32 s7, s2  }
0x1e: {  	s7 =	smul.u32 @!p0 $0xF7A, s2;
	p2 =	seq.s32 @!p0 s5, $0x0  }
0x1f: {  	s9 =	smul.u32 $0xF7A, s1;
	s8 =	simm.s32 @!p0 $0x1BF5;
	p2 =	por !p2, p0  }
0x20: {  	[sflag:s8] =	ssyncset.s32 @!p0 $0xFFFFF086;
	s6 =	sadd.s32 @!p0 s3, s7;
	s7 =	simm.s32 @!p0 $0x108  }
0x21: {  	s3 =	sadd.s32 s3, s9;
	s6 =	sadd.s32 @!p0 $0x88, s6;
	s7 =	simm.s32 @p2 $0x1082  }
0x22: {  	[simem:s7], [sflag:s8] =	dma.local @!p0 [hbm:s6], $0xF7A  }
0x23: {  	s9 =	sor.u32 $0xD0000000, s2;
	s6 =	simm.s32 $0x108;
	_ =	swait.ge @!p0 [sflag:s8], $0x0  }
0x24: {  	s3 =	sadd.s32 $0x88, s3;
	s6 =	simm.s32 @!p1 $0x1082;
	[sflag:s4] =	ssyncset.s32 $0xFFFFF086  }
0x25: {  	[simem:s6], [sflag:s4] =	dma.local [hbm:s3], $0xF7A  }
0x26: {  	[smem:$0x3F9B] =	sst s1;
	(tag) =	ssettag s2;
	_ =	strace s9  }
0x27: {  	s1 =	sld [smem:$0x3FAB]  }
0x28: {  	s2 =	sld [smem:$0x3FAC]  }
0x29: {  	s4 =	sld [smem:$0x3FAE]  }
0x2a: {  	p0 =	seq.s32 s5, $0x0;
	s5 =	sld [smem:$0x3FAF]  }
0x2b: {  	s6 =	sld [smem:$0x3FB0]  }
0x2c: {  	s7 =	sld [smem:$0x3FB1]  }
0x2d: {  	s3 =	simm.s32 $0x108;
	s8 =	sld [smem:$0x3FB2]  }
0x2e: {  	s3 =	simm.s32 @!p0 $0x1082;
	s9 =	sld [smem:$0x3FB3]  }
0x2f: {  	lr =	sadd.s32 s0, s3;
	s0 =	sld [smem:$0x3FAA]  }
0x30: {  	s3 =	sld [smem:$0x3FAD]  }
0x31: {  	[smem:$0x3FB6] =	sst s10  }
0x32: {  	s10 =	sld [smem:$0x3FB4];
	_ =	sdelay $0x3  }
0x33: {  	p0 =	seq.s32 s10, $0x1;
	s10 =	sld [smem:$0x3FB6];
	_ =	sdelay $0x3  }
0x34: {  	[smem:$0x3FB6] =	sst s10  }
0x35: {  	s10 =	sld [smem:$0x3FB5];
	_ =	sdelay $0x3  }
0x36: {  	p1 =	seq.s32 s10, $0x1;
	s10 =	sld [smem:$0x3FB6];
	_ =	sdelay $0x3  }
0x37: {  	[smem:$0x3FB6] =	sst s10  }
0x38: {  	s10 =	sld [smem:$0x3FB7]  }
0x39: {  	_ = 	snop;
	(pc) =	sbr.ind lr, $3  }
0x3a: {  	_ = 	snop  }
0x3b: {  	_ = 	snop  }
0x3c: {  	p2 =	seq.s32 s10, $0x1;
	s10 =	sld [smem:$0x3FB6]  }
0x3d: {  	_ =	shalt  }
0x3e: {  	_ =	shalt  }
0x3f: {  	_ =	shalt  }
0x40: {  	_ =	shalt  }
0x41: {  	_ =	shalt  }
0x42: {  	_ =	shalt  }
0x43: {  	_ =	shalt  }
0x44: {  	_ =	shalt  }
0x45: {  	_ =	shalt  }
0x46: {  	_ =	shalt  }
0x47: {  	_ =	shalt  }
0x48: {  	_ =	shalt  }
0x49: {  	_ =	shalt  }
0x4a: {  	_ =	shalt  }
0x4b: {  	_ =	shalt  }
0x4c: {  	_ =	shalt  }
0x4d: {  	_ =	shalt  }
0x4e: {  	_ =	shalt  }
0x4f: {  	_ =	shalt  }
0x50: {  	_ =	shalt  }
0x51: {  	_ =	shalt  }
0x52: {  	_ =	shalt  }
0x53: {  	_ =	shalt  }
0x54: {  	_ =	shalt  }
0x55: {  	_ =	shalt  }
0x56: {  	_ =	shalt  }
0x57: {  	_ =	shalt  }
0x58: {  	_ =	shalt  }
0x59: {  	_ =	shalt  }
0x5a: {  	_ =	shalt  }
0x5b: {  	_ =	shalt  }
0x5c: {  	_ =	shalt  }
0x5d: {  	_ =	shalt  }
0x5e: {  	_ =	shalt  }
0x5f: {  	_ =	shalt  }
0x60: {  	_ =	shalt  }
0x61: {  	_ =	shalt  }
0x62: {  	_ =	shalt  }
0x63: {  	_ =	shalt  }
0x64: {  	_ =	shalt  }
0x65: {  	_ =	shalt  }
0x66: {  	_ =	shalt  }
0x67: {  	_ =	shalt  }
0x68: {  	_ =	shalt  }
0x69: {  	_ =	shalt  }
0x6a: {  	_ =	shalt  }
0x6b: {  	_ =	shalt  }
0x6c: {  	_ =	shalt  }
0x6d: {  	_ =	shalt  }
0x6e: {  	_ =	shalt  }
0x6f: {  	_ =	shalt  }
0x70: {  	_ =	shalt  }
0x71: {  	_ =	shalt  }
0x72: {  	_ =	shalt  }
0x73: {  	_ =	shalt  }
0x74: {  	_ =	shalt  }
0x75: {  	_ =	shalt  }
0x76: {  	_ =	shalt  }
0x77: {  	_ =	shalt  }
0x78: {  	_ =	shalt  }
0x79: {  	_ =	shalt  }
0x7a: {  	_ =	shalt  }
0x7b: {  	_ =	shalt  }
0x7c: {  	_ =	shalt  }
0x7d: {  	_ =	shalt  }
0x7e: {  	_ =	shalt  }
0x7f: {  	_ =	shalt  }
0x80: {  	_ =	shalt  }
0x81: {  	_ =	shalt  }
0x82: {  	_ =	shalt  }
0x83: {  	_ =	shalt  }
0x84: {  	_ =	shalt  }
0x85: {  	_ =	shalt  }
0x86: {  	_ =	shalt  }
0x87: {  	_ =	shalt  }
.Lfunc_end0:
.L_simem_size_0:
called_computation.1_lowered:
.L_overlay_start_0:
0x88: {  	s2 =	sld [smem:$0x3FD9]  }
0x89: {  	s3 =	sld [smem:$0x3FFE];
	_ =	sdelay $0x1  }
0x8a: {  	s1 =	srdreg.scid  }
0x8b: {  	s0 =	sand.u32 $0x1, s1  }
0x8c: {  	s17 =	sshll.u32 s0, $0xA;
	s2 =	sadd.s32 s3, s2  }
0x8d: {  	s2 =	sadd.s32 s2, s17  }
0x8e: {  	[smem:$0x3FC2] =	sst s2  }
0x8f: {  	_ = 	snop  }
0x90: {  	s2 =	sld [smem:$0x3FD0];
	(tm) =	ssettm $0x1  }
0x91: {  	s18 =	sld [smem:$0x3FFB];
	_ =	sdelay $0x3  }
0x92: {  	_ =	strace s18  }
0x93: {  	s3 =	sld [smem:$0x3FFC];
	_ =	sdelay $0x3  }
0x94: {  	_ =	strace s3  }
0x95: {  	s3 =	sld [smem:$0x3FFD];
	_ =	sdelay $0x3  }
0x96: {  	_ =	strace s3  }
0x97: {  	_ =	strace $0x8FFFFFFF  }
0x98: {  	s19 =	sld [smem:$0x3FDB];
	_ =	sdelay $0x1  }
0x99: {  	s4 =	simm.s32 $_scs_section_size  }
0x9a: {  	s5 =	simm.s32 $_size__tile_overlayer_lowered;
	s6 =	simm.s32 $_tile_overlayer_lowered  }
0x9b: {  	s22 =	simm.s32 $0x1BFF;
	s21 =	sshll.u32 s6, $0x1;
	s3 =	sadd.s32 s4, s19  }
0x9c: {  	s7 =	simm.s32 $0x0;
	s20 =	sshll.u32 s5, $0x1;
	s5 =	sadd.s32 s21, s3  }
0x9d: {  	[timem:s7], [sflag:s22] =	dma.local [hbm:s5], s20  }
0x9e: {  	_ =	swait.ge [sflag:s22], s20  }
0x9f: {  	s4 =	ssub.s32 $0x0, s20;
	[sflag:s22] =	ssyncset.done $0x0  }
0xa0: {  	[sflag:s22] =	ssyncadd.s32 s4;
	_ =	sdelay $0x1  }
0xa1: {  	s23 =	simm.s32 $0x1B8B  }
0xa2: {  	_ =	swait.ge [sflag:s23], $0x1  }
0xa3: {  	[sflag:s23] =	ssyncset.done $0x0  }
0xa4: {  	s25 =	simm.s32 $0x1B8E;
	s24 =	sld [smem:$0x3FFE];
	[sflag:s23] =	ssyncadd.s32 $0xFFFFFFFF  }
0xa5: {  	s26 =	simm.s32 $execute0_lowered;
	[smem:$0x3FD2] =	sst s25  }
0xa6: {  	s5 =	sshll.u32 s26, $0x1;
	_ =	strace $0x80000046;
	[dreg:$0x1] =	wrdreg $0xFFFFFFFF  }
0xa7: {  	s28 =	simm.s32 $_size_execute0_lowered;
	s3 =	sadd.s32 s3, s5;
	[dreg:$0x0] =	wrdreg $0x0  }
0xa8: {  	s5 =	sshll.u32 s28, $0x1;
	[dreg:$0x2] =	wrdreg s3  }
0xa9: {  	[dreg:$0x3] =	wrdreg s5  }
0xaa: {  	[dreg:$0x4] =	wrdreg $0xC0  }
0xab: {  	_ =	task [dreg:s7], $0x5FFFF  }
0xac: {  	[dreg:$0x1] =	wrdreg $0xFFFFFFFF  }
0xad: {  	[dreg:$0x0] =	wrdreg $0x60  }
0xae: {  	[dreg:$0x2] =	wrdreg s24  }
0xaf: {  	[dreg:$0x3] =	wrdreg s2  }
0xb0: {  	[dreg:$0x4] =	wrdreg $0x90000  }
0xb1: {  	[dreg:$0x5] =	wrdreg $0xA  }
0xb2: {  	_ =	task.clear_ibuf [dreg:s7], $0x6FFFF;
	_ =	strace $0x90000046  }
0xb3: {  	s29 =	simm.s32 $0xA;
	_ =	strace $0x80000048  }
0xb4: {  	_ =	swait.ge [sflag:s29], $0x1  }
0xb5: {  	[sflag:s29] =	ssyncadd.s32 $0xFFFFFFFF  }
0xb6: {  	_ =	strace $0x90000048  }
0xb7: {  	_ =	sfence  }
0xb8: {  	s30 =	sld [smem:$0x0];
	_ =	sdelay $0x2  }
0xb9: {  	s31 =	sshll.u32 s1, $0xD;
	s1 =	sshrl.u32 s1, $0x2  }
0xba: {  	s3 =	sand.u32 $0x4000, s31;
	s1 =	sadd.s32 s1, s30  }
0xbb: {  	s0 =	sor.u32 s3, s0;
	s1 =	sshll.u32 s1, $0x11  }
0xbc: {  	s0 =	sor.u32 s1, s0  }
0xbd: {  	s0 =	sadd.s32 $0x8F2B, s0  }
0xbe: {  	[sflag:s0] =	ssyncadd.remote.s32 $0x1  }
0xbf: {  	_ =	sfence.sel $0xFFFF  }
0xc0: {  	[dreg:$0x0] =	wrdreg $0xFFFFFFFF;
	(pc) =	sbr.abs _section_cstart, $3  }
0xc1: {  	[dreg:$0x1] =	wrdreg $0xFFFFFFFF  }
0xc2: {  	_ =	task.clear_ibuf [dreg:s7], $0x2FFFF;
	_ =	strace $0x9FFFFFFF  }
0xc3: {  	(tm) =	ssettm $0x7FFFFFFF  }
tec
execute0_lowered:
.L_overlay_start_1:
0x0: {  	(tag) =	ssettag $0x1  }
0x1: {  	s5 =	rddreg [dreg:$0x0]  }
0x2: {  	s6 =	rddreg [dreg:$0x1]  }
0x3: {  	s2 =	rddreg [dreg:$0x2]  }
0x4: {  	s0 =	rddreg [dreg:$0x3];
	s4 =	srdreg.scid  }
0x5: {  	s1 =	stileid.u32;
	s3 =	simm.s32 $0x0;
	s15 =	simm.s32 $0x5000  }
0x6: {  	s16 =	simm.s32 $0x7000;
	s17 =	simm.s32 $0x1;
	s18 =	simm.s32 $0x2  }
0x7: {  	s19 =	simm.s32 $0x80;
	s20 =	simm.s32 $0x0;
	s8 =	smul.u32 $0x13C00, s1  }
0x8: {  	s7 =	sand.u32 $0x1, s4;
	[smem:$0x7FF] =	sst s3;
	s11 =	smul.u32 $0x4F000, s1  }
0x9: {  	s31 =	sshll.u32 s1, $0x6;
	s4 =	sshll.u32 s7, $0x4;
	s9 =	smul.u32 $0x13C000, s7  }
0xa: {  	_ =	strace $0x80000047;
	s7 =	ssub.s32 $0x2, s7;
	s10 =	sor.u32 s1, s4  }
0xb: {  	s4 =	sadd.s32 $0x34400, s5;
	s28 =	sshrl.u32 s7, $0x1;
	s29 =	sshrl.u32 s11, $0x2  }
0xc: {  	s30 =	sshrl.u32 s8, $0x3;
	s11 =	simm.s32 $0x2800;
	s10 =	smul.u32 $0x500, s10  }
0xd: {  	s9 =	sadd.s32 s8, s9;
	s13 =	ssub.s32 s7, s28;
	s14 =	sadd.s32 s29, s2  }
0xe: {  	s7 =	sadd.s32 s4, s30;
	s9 =	sshrl.u32 s9, $0x3;
	s12 =	sadd.s32 s10, s5  }
0xf: {  	s9 =	sadd.s32 s9, s5;
	s5 =	sadd.s32 s6, s10;
	s10 =	simm.s32 $0x3  }
0x10: {  	s6 =	sadd.s32 $0x2C00, s12;
	s8 =	sadd.s32 $0x5BC00, s9;
	s9 =	smax.u32 s13, $0x1  }
0x11: {  	s12 =	sor.u32 $0x1C03, s31;
	s13 =	sshrl.u32 s14, $0x3;
	s14 =	simm.s32 $0x40  }
.LBB2_1:
0x12: {  	[tilespmem:s3], [sflag:$0x3] =	stream.linear.gather [hbm4b:s5+s3], $0x2780, $0x38;
	[tilespmem:$0x1CC00] =	vst v63  }
0x13: {  	_ =	swait.ge [sflag:s10], $0x2780  }
0x14: {  	[sflag:s10] =	ssyncset.done $0x0  }
0x15: {  	[sflag:s10] =	ssyncadd.s32 $0xFFFFD880  }
0x16: {  	[tilespmem:s11], [sflag:$0x3] =	stream.linear.gather [hbm4b:s6+s3], $0x2780, $0x38;
	[tilespmem:$0x1CC00] =	vst v63  }
0x17: {  	_ =	swait.ge [sflag:s10], $0x2780  }
0x18: {  	[sflag:s10] =	ssyncset.done $0x0  }
0x19: {  	[sflag:s10] =	ssyncadd.s32 $0xFFFFD880  }
0x1a: {  	[spmem:s13], [sflag:s12] =	dma.local [hbm:s7], $0x2780  }
0x1b: {  	_ =	swait.ge [sflag:s10], $0x2780  }
0x1c: {  	[sflag:s10] =	ssyncset.done $0x0  }
0x1d: {  	[sflag:s10] =	ssyncadd.s32 $0xFFFFD880  }
0x1e: {  	s21 =	simm.s32 $0x0;
	[bflag:$0x0] =	sbarrier.arrive $0xFFFF  }
0x1f: {  	[tilespmem:s15], [sflag:$0x1] =	stream.indirect.gather [hbm4b:s4+s14], $0x80, s21, s14, $0xb8;
	[tilespmem:$0x1CC00] =	vst v63  }
0x20: {  	s30 =	simm.s32 $0x40  }
0x21: {  	[tilespmem:s16], [sflag:$0x2] =	stream.indirect.gather [hbm4b:s4+s14], $0x80, s30, s14, $0xb8;
	[tilespmem:$0x1CC00] =	vst v63  }
0x22: {  	_ =	swait.ge [sflag:s17], $0x2000  }
0x23: {  	[sflag:s17] =	ssyncset.done $0x0  }
0x24: {  	[sflag:s17] =	ssyncadd.s32 $0xFFFFE000  }
0x25: {  	_ =	swait.ge [sflag:s18], $0x2000  }
0x26: {  	[sflag:s18] =	ssyncset.done $0x0  }
0x27: {  	s31 =	simm.s32 $0x2800;
	[sflag:s18] =	ssyncadd.s32 $0xFFFFE000  }
0x28: {  	[spmem:s2] =	stream.indirect.scatter.add.f32 [tilespmem:s15], [sflag:$0x3], $0x80, s31, s19, $0xb8;
	[tilespmem:$0x1CC00] =	vst v63  }
0x29: {  	_ =	swait.ge [sflag:s10], $0x4000  }
0x2a: {  	s22 =	simm.s32 $0x400;
	s21 =	simm.s32 $0x200;
	[sflag:s10] =	ssyncset.done $0x0  }
.LBB2_2:
0x2b: {  	s23 =	sshra.s32 s21, $0x2  }
0x2c: {  	[sflag:s10] =	ssyncadd.s32 $0xFFFFC000;
	s21 =	smov.u32 s22;
	s24 =	sadd.s32 $0x200, s22  }
0x2d: {  	[tilespmem:s15], [sflag:$0x1] =	stream.indirect.gather [hbm4b:s4+s14], $0x80, s23, s14, $0xb8;
	[tilespmem:$0x1CC00] =	vst v63  }
0x2e: {  	p0 =	sne.s32 s22, $0x9C00;
	s22 =	sadd.s32 $0x40, s23  }
0x2f: {  	[tilespmem:s16], [sflag:$0x2] =	stream.indirect.gather [hbm4b:s4+s14], $0x80, s22, s14, $0xb8;
	[tilespmem:$0x1CC00] =	vst v63  }
0x30: {  	_ =	swait.ge [sflag:s17], $0x2000  }
0x31: {  	[sflag:s17] =	ssyncset.done $0x0  }
0x32: {  	[sflag:s17] =	ssyncadd.s32 $0xFFFFE000  }
0x33: {  	_ =	swait.ge [sflag:s18], $0x2000  }
.Ltmp0:
0x34: {  	[sflag:s18] =	ssyncset.done $0x0;
	(pc) =	sbr.rel @p0 .LBB2_2-.Ltmp0, $4  }
0x35: {  	s22 =	sadd.s32 $0x2800, s23;
	[sflag:s18] =	ssyncadd.s32 $0xFFFFE000  }
0x36: {  	[spmem:s2] =	stream.indirect.scatter.add.f32 [tilespmem:s15], [sflag:$0x3], $0x80, s22, s19, $0xb8;
	[tilespmem:$0x1CC00] =	vst v63  }
0x37: {  	_ =	swait.ge [sflag:s10], $0x4000  }
0x38: {  	s22 =	smov.u32 s24;
	[sflag:s10] =	ssyncset.done $0x0  }
0x39: {  	s21 =	sshra.s32 s21, $0x2;
	[sflag:s10] =	ssyncadd.s32 $0xFFFFC000  }
0x3a: {  	[tilespmem:s15], [sflag:$0x1] =	stream.indirect.gather [hbm4b:s4+s14], $0x80, s21, s14, $0xb8;
	[tilespmem:$0x1CC00] =	vst v63  }
0x3b: {  	s22 =	sadd.s32 $0x40, s21  }
0x3c: {  	[tilespmem:s16], [sflag:$0x2] =	stream.indirect.gather [hbm4b:s4+s14], $0x80, s22, s14, $0xb8;
	[tilespmem:$0x1CC00] =	vst v63  }
0x3d: {  	_ =	swait.ge [sflag:s17], $0x2000  }
0x3e: {  	[sflag:s17] =	ssyncset.done $0x0  }
0x3f: {  	[sflag:s17] =	ssyncadd.s32 $0xFFFFE000  }
0x40: {  	_ =	swait.ge [sflag:s18], $0x2000  }
0x41: {  	[sflag:s18] =	ssyncset.done $0x0  }
0x42: {  	s21 =	sadd.s32 $0x2800, s21;
	[sflag:s18] =	ssyncadd.s32 $0xFFFFE000  }
0x43: {  	[spmem:s2] =	stream.indirect.scatter.add.f32 [tilespmem:s15], [sflag:$0x3], $0x80, s21, s19, $0xb8;
	[tilespmem:$0x1CC00] =	vst v63  }
0x44: {  	_ =	swait.ge [sflag:s10], $0x4000  }
0x45: {  	s20 =	sadd.s32 $0x1, s20;
	[sflag:s10] =	ssyncset.done $0x0  }
0x46: {  	p0 =	sne.s32 s20, s9;
	[sflag:s10] =	ssyncadd.s32 $0xFFFFC000  }
.Ltmp1:
0x47: {  	[bflag:$0x0] =	sbarrier.arrive $0xFFFF;
	(pc) =	sbr.rel @p0 .LBB2_1-.Ltmp1, $4  }
0x48: {  	[hbm:s8], [sflag:s12] =	dma.local [spmem:s13], $0x2780  }
0x49: {  	_ =	swait.ge [sflag:s10], $0x2780  }
0x4a: {  	[sflag:s10] =	ssyncset.done $0x0  }
0x4b: {  	[sflag:s10] =	ssyncadd.s32 $0xFFFFD880  }
0x4c: {  	_ =	sfence.sel $0x180000  }
0x4d: {  	[bflag:$0x0] =	sbarrier.arrive $0xFFFF  }
0x4e: {  	p0 =	sne.s32 s1, $0x0;
	_ =	strace $0x90000047  }
0x4f: {  	s0 =	sadd.s32 @!p0 $0x100000, s0;
	[bflag:$0x2] =	sbarrier.arrive $0xFFFF  }
0x50: {  	[sflag:s0] =	ssyncadd.tile.s32 @!p0 $0x1;
	_ =	shalt  }
.Lfunc_end2:
_tile_overlayer_lowered:
.L_overlay_start_2:
0x51: {  	(tag) =	ssettag $0x2  }
0x52: {  	s0 =	rddreg [dreg:$0x0];
	s2 =	stileid.u32  }
0x53: {  	s1 =	rddreg [dreg:$0x1];
	p0 =	sne.s32 s2, $0x0  }
0x54: {  	s3 =	rddreg [dreg:$0x2];
	[bflag:$0x3] =	sbarrier.arrive $0xFFFF;
	s2 =	simm.s32 @!p0 $0x1C03  }
0x55: {  	[timem:s3], [sflag:s2] =	dma.local @!p0 [hbm:s0], s1  }
0x56: {  	s0 =	simm.s32 @!p0 $0x3  }
0x57: {  	_ =	swait.ge @!p0 [sflag:s0], s1  }
0x58: {  	s1 =	ssub.s32 @!p0 $0x0, s1;
	[sflag:s0] =	ssyncset.done @!p0 $0x0  }
0x59: {  	[sflag:s0] =	ssyncadd.s32 @!p0 s1  }
0x5a: {  	[bflag:$0x3] =	sbarrier.arrive $0xFFFF  }
0x5b: {  	_ =	shalt  }

// kernel: kernel.14.cloned.1.call-start
scs
__scs_entry_jumppad:
0x0: {  	(pc) =	sbr.rel $0x88, $3  }
0x1: {  	(tag) =	ssettag $0x0;
	lr =	simm.s32 $0x1  }
0x2: {  	[smem:$0x3F9B] =	sst lr;
	_ =	strace $0xD0000000  }
0x3: {  	_ = 	snop  }
0x4: {  	_ = 	snop  }
0x5: {  	_ = 	snop  }
0x6: {  	_ = 	snop  }
0x7: {  	_ = 	snop  }
__scs_overlays_trampoline_lowered:
0x8: {  	[smem:$0x3FAA] =	sst s0  }
0x9: {  	[smem:$0x3FAB] =	sst s1  }
0xa: {  	[smem:$0x3FAC] =	sst s2  }
0xb: {  	[smem:$0x3FAD] =	sst s3  }
0xc: {  	[smem:$0x3FAE] =	sst s4  }
0xd: {  	[smem:$0x3FAF] =	sst s5  }
0xe: {  	[smem:$0x3FB0] =	sst s6  }
0xf: {  	[smem:$0x3FB1] =	sst s7  }
0x10: {  	[smem:$0x3FB2] =	sst s8  }
0x11: {  	[smem:$0x3FB3] =	sst s9;
	s0 =	simm.s32 @!p0 $0x0  }
0x12: {  	s1 =	sld [smem:$0x3F99];
	s0 =	simm.s32 @p0 $0x1  }
0x13: {  	[smem:$0x3FB4] =	sst s0;
	s0 =	simm.s32 @!p1 $0x0  }
0x14: {  	s2 =	sld [smem:$0x3F98];
	s0 =	simm.s32 @p1 $0x1  }
0x15: {  	[smem:$0x3FB5] =	sst s0;
	s0 =	simm.s32 @!p2 $0x0  }
0x16: {  	s3 =	sld [smem:$0x3FDB];
	s0 =	simm.s32 @p2 $0x1  }
0x17: {  	s4 =	simm.s32 $0x1BF5;
	[smem:$0x3FB7] =	sst s0  }
0x18: {  	s0 =	sld [smem:$0x3F9A];
	_ =	swait.ge [sflag:s4], $0x0  }
0x19: {  	s7 =	sld [smem:$0x3F9B]  }
0x1a: {  	s8 =	sadd.s32 $0xFFFFE003, lr  }
0x1b: {  	s9 =	sadd.s32 $0xFFFFFEF7, lr;
	s5 =	simm.s32 $0xFFFFFFFF;
	p2 =	slt.u32 s8, $0xFFFFF086  }
0x1c: {  	p1 =	slt.u32 s9, $0xF7A;
	s5 =	simm.s32 @!p2 $0x0  }
0x1d: {  	s5 =	simm.s32 @p1 $0x1;
	p0 =	seq.s32 s7, s2  }
0x1e: {  	s7 =	smul.u32 @!p0 $0xF7A, s2;
	p2 =	seq.s32 @!p0 s5, $0x0  }
0x1f: {  	s9 =	smul.u32 $0xF7A, s1;
	s8 =	simm.s32 @!p0 $0x1BF5;
	p2 =	por !p2, p0  }
0x20: {  	[sflag:s8] =	ssyncset.s32 @!p0 $0xFFFFF086;
	s6 =	sadd.s32 @!p0 s3, s7;
	s7 =	simm.s32 @!p0 $0x108  }
0x21: {  	s3 =	sadd.s32 s3, s9;
	s6 =	sadd.s32 @!p0 $0x88, s6;
	s7 =	simm.s32 @p2 $0x1082  }
0x22: {  	[simem:s7], [sflag:s8] =	dma.local @!p0 [hbm:s6], $0xF7A  }
0x23: {  	s9 =	sor.u32 $0xD0000000, s2;
	s6 =	simm.s32 $0x108;
	_ =	swait.ge @!p0 [sflag:s8], $0x0  }
0x24: {  	s3 =	sadd.s32 $0x88, s3;
	s6 =	simm.s32 @!p1 $0x1082;
	[sflag:s4] =	ssyncset.s32 $0xFFFFF086  }
0x25: {  	[simem:s6], [sflag:s4] =	dma.local [hbm:s3], $0xF7A  }
0x26: {  	[smem:$0x3F9B] =	sst s1;
	(tag) =	ssettag s2;
	_ =	strace s9  }
0x27: {  	s1 =	sld [smem:$0x3FAB]  }
0x28: {  	s2 =	sld [smem:$0x3FAC]  }
0x29: {  	s4 =	sld [smem:$0x3FAE]  }
0x2a: {  	p0 =	seq.s32 s5, $0x0;
	s5 =	sld [smem:$0x3FAF]  }
0x2b: {  	s6 =	sld [smem:$0x3FB0]  }
0x2c: {  	s7 =	sld [smem:$0x3FB1]  }
0x2d: {  	s3 =	simm.s32 $0x108;
	s8 =	sld [smem:$0x3FB2]  }
0x2e: {  	s3 =	simm.s32 @!p0 $0x1082;
	s9 =	sld [smem:$0x3FB3]  }
0x2f: {  	lr =	sadd.s32 s0, s3;
	s0 =	sld [smem:$0x3FAA]  }
0x30: {  	s3 =	sld [smem:$0x3FAD]  }
0x31: {  	[smem:$0x3FB6] =	sst s10  }
0x32: {  	s10 =	sld [smem:$0x3FB4];
	_ =	sdelay $0x3  }
0x33: {  	p0 =	seq.s32 s10, $0x1;
	s10 =	sld [smem:$0x3FB6];
	_ =	sdelay $0x3  }
0x34: {  	[smem:$0x3FB6] =	sst s10  }
0x35: {  	s10 =	sld [smem:$0x3FB5];
	_ =	sdelay $0x3  }
0x36: {  	p1 =	seq.s32 s10, $0x1;
	s10 =	sld [smem:$0x3FB6];
	_ =	sdelay $0x3  }
0x37: {  	[smem:$0x3FB6] =	sst s10  }
0x38: {  	s10 =	sld [smem:$0x3FB7]  }
0x39: {  	_ = 	snop;
	(pc) =	sbr.ind lr, $3  }
0x3a: {  	_ = 	snop  }
0x3b: {  	_ = 	snop  }
0x3c: {  	p2 =	seq.s32 s10, $0x1;
	s10 =	sld [smem:$0x3FB6]  }
0x3d: {  	_ =	shalt  }
0x3e: {  	_ =	shalt  }
0x3f: {  	_ =	shalt  }
0x40: {  	_ =	shalt  }
0x41: {  	_ =	shalt  }
0x42: {  	_ =	shalt  }
0x43: {  	_ =	shalt  }
0x44: {  	_ =	shalt  }
0x45: {  	_ =	shalt  }
0x46: {  	_ =	shalt  }
0x47: {  	_ =	shalt  }
0x48: {  	_ =	shalt  }
0x49: {  	_ =	shalt  }
0x4a: {  	_ =	shalt  }
0x4b: {  	_ =	shalt  }
0x4c: {  	_ =	shalt  }
0x4d: {  	_ =	shalt  }
0x4e: {  	_ =	shalt  }
0x4f: {  	_ =	shalt  }
0x50: {  	_ =	shalt  }
0x51: {  	_ =	shalt  }
0x52: {  	_ =	shalt  }
0x53: {  	_ =	shalt  }
0x54: {  	_ =	shalt  }
0x55: {  	_ =	shalt  }
0x56: {  	_ =	shalt  }
0x57: {  	_ =	shalt  }
0x58: {  	_ =	shalt  }
0x59: {  	_ =	shalt  }
0x5a: {  	_ =	shalt  }
0x5b: {  	_ =	shalt  }
0x5c: {  	_ =	shalt  }
0x5d: {  	_ =	shalt  }
0x5e: {  	_ =	shalt  }
0x5f: {  	_ =	shalt  }
0x60: {  	_ =	shalt  }
0x61: {  	_ =	shalt  }
0x62: {  	_ =	shalt  }
0x63: {  	_ =	shalt  }
0x64: {  	_ =	shalt  }
0x65: {  	_ =	shalt  }
0x66: {  	_ =	shalt  }
0x67: {  	_ =	shalt  }
0x68: {  	_ =	shalt  }
0x69: {  	_ =	shalt  }
0x6a: {  	_ =	shalt  }
0x6b: {  	_ =	shalt  }
0x6c: {  	_ =	shalt  }
0x6d: {  	_ =	shalt  }
0x6e: {  	_ =	shalt  }
0x6f: {  	_ =	shalt  }
0x70: {  	_ =	shalt  }
0x71: {  	_ =	shalt  }
0x72: {  	_ =	shalt  }
0x73: {  	_ =	shalt  }
0x74: {  	_ =	shalt  }
0x75: {  	_ =	shalt  }
0x76: {  	_ =	shalt  }
0x77: {  	_ =	shalt  }
0x78: {  	_ =	shalt  }
0x79: {  	_ =	shalt  }
0x7a: {  	_ =	shalt  }
0x7b: {  	_ =	shalt  }
0x7c: {  	_ =	shalt  }
0x7d: {  	_ =	shalt  }
0x7e: {  	_ =	shalt  }
0x7f: {  	_ =	shalt  }
0x80: {  	_ =	shalt  }
0x81: {  	_ =	shalt  }
0x82: {  	_ =	shalt  }
0x83: {  	_ =	shalt  }
0x84: {  	_ =	shalt  }
0x85: {  	_ =	shalt  }
0x86: {  	_ =	shalt  }
0x87: {  	_ =	shalt  }
.Lfunc_end0:
.L_simem_size_0:
called_computation.2_lowered:
.L_overlay_start_0:
0x88: {  	s2 =	sld [smem:$0x3FD9]  }
0x89: {  	s3 =	sld [smem:$0x3FFE];
	_ =	sdelay $0x1  }
0x8a: {  	s1 =	srdreg.scid  }
0x8b: {  	s0 =	sand.u32 $0x1, s1  }
0x8c: {  	s17 =	sshll.u32 s0, $0xA;
	s2 =	sadd.s32 s3, s2  }
0x8d: {  	s2 =	sadd.s32 s2, s17  }
0x8e: {  	[smem:$0x3FC2] =	sst s2  }
0x8f: {  	_ = 	snop  }
0x90: {  	s2 =	sld [smem:$0x3FD0];
	(tm) =	ssettm $0x1  }
0x91: {  	s18 =	sld [smem:$0x3FFB];
	_ =	sdelay $0x3  }
0x92: {  	_ =	strace s18  }
0x93: {  	s3 =	sld [smem:$0x3FFC];
	_ =	sdelay $0x3  }
0x94: {  	_ =	strace s3  }
0x95: {  	s3 =	sld [smem:$0x3FFD];
	_ =	sdelay $0x3  }
0x96: {  	_ =	strace s3  }
0x97: {  	_ =	strace $0x8FFFFFFF  }
0x98: {  	s19 =	sld [smem:$0x3FDB];
	_ =	sdelay $0x1  }
0x99: {  	s4 =	simm.s32 $_scs_section_size  }
0x9a: {  	s5 =	simm.s32 $_size__tile_overlayer_lowered;
	s6 =	simm.s32 $_tile_overlayer_lowered  }
0x9b: {  	s22 =	simm.s32 $0x1BFF;
	s21 =	sshll.u32 s6, $0x1;
	s3 =	sadd.s32 s4, s19  }
0x9c: {  	s7 =	simm.s32 $0x0;
	s20 =	sshll.u32 s5, $0x1;
	s5 =	sadd.s32 s21, s3  }
0x9d: {  	[timem:s7], [sflag:s22] =	dma.local [hbm:s5], s20  }
0x9e: {  	_ =	swait.ge [sflag:s22], s20  }
0x9f: {  	s4 =	ssub.s32 $0x0, s20;
	[sflag:s22] =	ssyncset.done $0x0  }
0xa0: {  	[sflag:s22] =	ssyncadd.s32 s4;
	_ =	sdelay $0x1  }
0xa1: {  	s23 =	simm.s32 $0x1B8B  }
0xa2: {  	_ =	swait.ge [sflag:s23], $0x1  }
0xa3: {  	[sflag:s23] =	ssyncset.done $0x0  }
0xa4: {  	s25 =	simm.s32 $0x1B8E;
	s24 =	sld [smem:$0x3FFE];
	[sflag:s23] =	ssyncadd.s32 $0xFFFFFFFF  }
0xa5: {  	s26 =	simm.s32 $execute0_lowered;
	[smem:$0x3FD2] =	sst s25  }
0xa6: {  	s5 =	sshll.u32 s26, $0x1;
	_ =	strace $0x8000004C;
	[dreg:$0x1] =	wrdreg $0xFFFFFFFF  }
0xa7: {  	s28 =	simm.s32 $_size_execute0_lowered;
	s3 =	sadd.s32 s3, s5;
	[dreg:$0x0] =	wrdreg $0x0  }
0xa8: {  	s5 =	sshll.u32 s28, $0x1;
	[dreg:$0x2] =	wrdreg s3  }
0xa9: {  	[dreg:$0x3] =	wrdreg s5  }
0xaa: {  	[dreg:$0x4] =	wrdreg $0xC0  }
0xab: {  	_ =	task [dreg:s7], $0x5FFFF  }
0xac: {  	[dreg:$0x1] =	wrdreg $0xFFFFFFFF  }
0xad: {  	[dreg:$0x0] =	wrdreg $0x60  }
0xae: {  	[dreg:$0x2] =	wrdreg s24  }
0xaf: {  	[dreg:$0x3] =	wrdreg s2  }
0xb0: {  	[dreg:$0x4] =	wrdreg $0x90000  }
0xb1: {  	[dreg:$0x5] =	wrdreg $0x9  }
0xb2: {  	_ =	task.clear_ibuf [dreg:s7], $0x6FFFF;
	_ =	strace $0x9000004C  }
0xb3: {  	s29 =	simm.s32 $0x9;
	_ =	strace $0x8000004E  }
0xb4: {  	_ =	swait.ge [sflag:s29], $0x1  }
0xb5: {  	[sflag:s29] =	ssyncadd.s32 $0xFFFFFFFF  }
0xb6: {  	_ =	strace $0x9000004E  }
0xb7: {  	_ =	sfence  }
0xb8: {  	s30 =	sld [smem:$0x0];
	_ =	sdelay $0x2  }
0xb9: {  	s31 =	sshll.u32 s1, $0xD;
	s1 =	sshrl.u32 s1, $0x2  }
0xba: {  	s3 =	sand.u32 $0x4000, s31;
	s1 =	sadd.s32 s1, s30  }
0xbb: {  	s0 =	sor.u32 s3, s0;
	s1 =	sshll.u32 s1, $0x11  }
0xbc: {  	s0 =	sor.u32 s1, s0  }
0xbd: {  	s0 =	sadd.s32 $0x8F2B, s0  }
0xbe: {  	[sflag:s0] =	ssyncadd.remote.s32 $0x1  }
0xbf: {  	_ =	sfence.sel $0xFFFF  }
0xc0: {  	[dreg:$0x0] =	wrdreg $0xFFFFFFFF;
	(pc) =	sbr.abs _section_cstart, $3  }
0xc1: {  	[dreg:$0x1] =	wrdreg $0xFFFFFFFF  }
0xc2: {  	_ =	task.clear_ibuf [dreg:s7], $0x2FFFF;
	_ =	strace $0x9FFFFFFF  }
0xc3: {  	(tm) =	ssettm $0x7FFFFFFF  }
tec
execute0_lowered:
.L_overlay_start_1:
0x0: {  	(tag) =	ssettag $0x1  }
0x1: {  	s5 =	rddreg [dreg:$0x0]  }
0x2: {  	s6 =	rddreg [dreg:$0x1]  }
0x3: {  	s2 =	rddreg [dreg:$0x2]  }
0x4: {  	s0 =	rddreg [dreg:$0x3];
	s4 =	srdreg.scid  }
0x5: {  	s1 =	stileid.u32;
	s3 =	simm.s32 $0x0;
	s15 =	simm.s32 $0x5000  }
0x6: {  	s16 =	simm.s32 $0x7000;
	s17 =	simm.s32 $0x1;
	s18 =	simm.s32 $0x2  }
0x7: {  	s19 =	simm.s32 $0x80;
	s20 =	simm.s32 $0x0;
	s8 =	smul.u32 $0x13C00, s1  }
0x8: {  	s7 =	sand.u32 $0x1, s4;
	[smem:$0x7FF] =	sst s3;
	s11 =	smul.u32 $0x4F000, s1  }
0x9: {  	s31 =	sshll.u32 s1, $0x6;
	s4 =	sshll.u32 s7, $0x4;
	s9 =	smul.u32 $0x13C000, s7  }
0xa: {  	_ =	strace $0x8000004D;
	s7 =	ssub.s32 $0x2, s7;
	s10 =	sor.u32 s1, s4  }
0xb: {  	s4 =	sadd.s32 $0xCC00, s5;
	s28 =	sshrl.u32 s7, $0x1;
	s29 =	sshrl.u32 s11, $0x2  }
0xc: {  	s30 =	sshrl.u32 s8, $0x3;
	s11 =	simm.s32 $0x2800;
	s10 =	smul.u32 $0x500, s10  }
0xd: {  	s9 =	sadd.s32 s8, s9;
	s13 =	ssub.s32 s7, s28;
	s14 =	sadd.s32 s29, s2  }
0xe: {  	s7 =	sadd.s32 s4, s30;
	s9 =	sshrl.u32 s9, $0x3;
	s12 =	sadd.s32 s10, s5  }
0xf: {  	s9 =	sadd.s32 s9, s5;
	s5 =	sadd.s32 s6, s10;
	s10 =	simm.s32 $0x3  }
0x10: {  	s6 =	sadd.s32 $0x2C00, s12;
	s8 =	sadd.s32 $0x34400, s9;
	s9 =	smax.u32 s13, $0x1  }
0x11: {  	s12 =	sor.u32 $0x1C03, s31;
	s13 =	sshrl.u32 s14, $0x3;
	s14 =	simm.s32 $0x40  }
.LBB2_1:
0x12: {  	[tilespmem:s3], [sflag:$0x3] =	stream.linear.gather [hbm4b:s5+s3], $0x2780, $0x38;
	[tilespmem:$0x1CC00] =	vst v63  }
0x13: {  	_ =	swait.ge [sflag:s10], $0x2780  }
0x14: {  	[sflag:s10] =	ssyncset.done $0x0  }
0x15: {  	[sflag:s10] =	ssyncadd.s32 $0xFFFFD880  }
0x16: {  	[tilespmem:s11], [sflag:$0x3] =	stream.linear.gather [hbm4b:s6+s3], $0x2780, $0x38;
	[tilespmem:$0x1CC00] =	vst v63  }
0x17: {  	_ =	swait.ge [sflag:s10], $0x2780  }
0x18: {  	[sflag:s10] =	ssyncset.done $0x0  }
0x19: {  	[sflag:s10] =	ssyncadd.s32 $0xFFFFD880  }
0x1a: {  	[spmem:s13], [sflag:s12] =	dma.local [hbm:s7], $0x2780  }
0x1b: {  	_ =	swait.ge [sflag:s10], $0x2780  }
0x1c: {  	[sflag:s10] =	ssyncset.done $0x0  }
0x1d: {  	[sflag:s10] =	ssyncadd.s32 $0xFFFFD880  }
0x1e: {  	s21 =	simm.s32 $0x0;
	[bflag:$0x0] =	sbarrier.arrive $0xFFFF  }
0x1f: {  	[tilespmem:s15], [sflag:$0x1] =	stream.indirect.gather [hbm4b:s4+s14], $0x80, s21, s14, $0xb8;
	[tilespmem:$0x1CC00] =	vst v63  }
0x20: {  	s30 =	simm.s32 $0x40  }
0x21: {  	[tilespmem:s16], [sflag:$0x2] =	stream.indirect.gather [hbm4b:s4+s14], $0x80, s30, s14, $0xb8;
	[tilespmem:$0x1CC00] =	vst v63  }
0x22: {  	_ =	swait.ge [sflag:s17], $0x2000  }
0x23: {  	[sflag:s17] =	ssyncset.done $0x0  }
0x24: {  	[sflag:s17] =	ssyncadd.s32 $0xFFFFE000  }
0x25: {  	_ =	swait.ge [sflag:s18], $0x2000  }
0x26: {  	[sflag:s18] =	ssyncset.done $0x0  }
0x27: {  	s31 =	simm.s32 $0x2800;
	[sflag:s18] =	ssyncadd.s32 $0xFFFFE000  }
0x28: {  	[spmem:s2] =	stream.indirect.scatter.add.f32 [tilespmem:s15], [sflag:$0x3], $0x80, s31, s19, $0xb8;
	[tilespmem:$0x1CC00] =	vst v63  }
0x29: {  	_ =	swait.ge [sflag:s10], $0x4000  }
0x2a: {  	s22 =	simm.s32 $0x400;
	s21 =	simm.s32 $0x200;
	[sflag:s10] =	ssyncset.done $0x0  }
.LBB2_2:
0x2b: {  	s23 =	sshra.s32 s21, $0x2  }
0x2c: {  	[sflag:s10] =	ssyncadd.s32 $0xFFFFC000;
	s21 =	smov.u32 s22;
	s24 =	sadd.s32 $0x200, s22  }
0x2d: {  	[tilespmem:s15], [sflag:$0x1] =	stream.indirect.gather [hbm4b:s4+s14], $0x80, s23, s14, $0xb8;
	[tilespmem:$0x1CC00] =	vst v63  }
0x2e: {  	p0 =	sne.s32 s22, $0x9C00;
	s22 =	sadd.s32 $0x40, s23  }
0x2f: {  	[tilespmem:s16], [sflag:$0x2] =	stream.indirect.gather [hbm4b:s4+s14], $0x80, s22, s14, $0xb8;
	[tilespmem:$0x1CC00] =	vst v63  }
0x30: {  	_ =	swait.ge [sflag:s17], $0x2000  }
0x31: {  	[sflag:s17] =	ssyncset.done $0x0  }
0x32: {  	[sflag:s17] =	ssyncadd.s32 $0xFFFFE000  }
0x33: {  	_ =	swait.ge [sflag:s18], $0x2000  }
.Ltmp0:
0x34: {  	[sflag:s18] =	ssyncset.done $0x0;
	(pc) =	sbr.rel @p0 .LBB2_2-.Ltmp0, $4  }
0x35: {  	s22 =	sadd.s32 $0x2800, s23;
	[sflag:s18] =	ssyncadd.s32 $0xFFFFE000  }
0x36: {  	[spmem:s2] =	stream.indirect.scatter.add.f32 [tilespmem:s15], [sflag:$0x3], $0x80, s22, s19, $0xb8;
	[tilespmem:$0x1CC00] =	vst v63  }
0x37: {  	_ =	swait.ge [sflag:s10], $0x4000  }
0x38: {  	s22 =	smov.u32 s24;
	[sflag:s10] =	ssyncset.done $0x0  }
0x39: {  	s21 =	sshra.s32 s21, $0x2;
	[sflag:s10] =	ssyncadd.s32 $0xFFFFC000  }
0x3a: {  	[tilespmem:s15], [sflag:$0x1] =	stream.indirect.gather [hbm4b:s4+s14], $0x80, s21, s14, $0xb8;
	[tilespmem:$0x1CC00] =	vst v63  }
0x3b: {  	s22 =	sadd.s32 $0x40, s21  }
0x3c: {  	[tilespmem:s16], [sflag:$0x2] =	stream.indirect.gather [hbm4b:s4+s14], $0x80, s22, s14, $0xb8;
	[tilespmem:$0x1CC00] =	vst v63  }
0x3d: {  	_ =	swait.ge [sflag:s17], $0x2000  }
0x3e: {  	[sflag:s17] =	ssyncset.done $0x0  }
0x3f: {  	[sflag:s17] =	ssyncadd.s32 $0xFFFFE000  }
0x40: {  	_ =	swait.ge [sflag:s18], $0x2000  }
0x41: {  	[sflag:s18] =	ssyncset.done $0x0  }
0x42: {  	s21 =	sadd.s32 $0x2800, s21;
	[sflag:s18] =	ssyncadd.s32 $0xFFFFE000  }
0x43: {  	[spmem:s2] =	stream.indirect.scatter.add.f32 [tilespmem:s15], [sflag:$0x3], $0x80, s21, s19, $0xb8;
	[tilespmem:$0x1CC00] =	vst v63  }
0x44: {  	_ =	swait.ge [sflag:s10], $0x4000  }
0x45: {  	s20 =	sadd.s32 $0x1, s20;
	[sflag:s10] =	ssyncset.done $0x0  }
0x46: {  	p0 =	sne.s32 s20, s9;
	[sflag:s10] =	ssyncadd.s32 $0xFFFFC000  }
.Ltmp1:
0x47: {  	[bflag:$0x0] =	sbarrier.arrive $0xFFFF;
	(pc) =	sbr.rel @p0 .LBB2_1-.Ltmp1, $4  }
0x48: {  	[hbm:s8], [sflag:s12] =	dma.local [spmem:s13], $0x2780  }
0x49: {  	_ =	swait.ge [sflag:s10], $0x2780  }
0x4a: {  	[sflag:s10] =	ssyncset.done $0x0  }
0x4b: {  	[sflag:s10] =	ssyncadd.s32 $0xFFFFD880  }
0x4c: {  	_ =	sfence.sel $0x180000  }
0x4d: {  	[bflag:$0x0] =	sbarrier.arrive $0xFFFF  }
0x4e: {  	p0 =	sne.s32 s1, $0x0;
	_ =	strace $0x9000004D  }
0x4f: {  	s0 =	sadd.s32 @!p0 $0x100000, s0;
	[bflag:$0x2] =	sbarrier.arrive $0xFFFF  }
0x50: {  	[sflag:s0] =	ssyncadd.tile.s32 @!p0 $0x1;
	_ =	shalt  }
.Lfunc_end2:
_tile_overlayer_lowered:
.L_overlay_start_2:
0x51: {  	(tag) =	ssettag $0x2  }
0x52: {  	s0 =	rddreg [dreg:$0x0];
	s2 =	stileid.u32  }
0x53: {  	s1 =	rddreg [dreg:$0x1];
	p0 =	sne.s32 s2, $0x0  }
0x54: {  	s3 =	rddreg [dreg:$0x2];
	[bflag:$0x3] =	sbarrier.arrive $0xFFFF;
	s2 =	simm.s32 @!p0 $0x1C03  }
0x55: {  	[timem:s3], [sflag:s2] =	dma.local @!p0 [hbm:s0], s1  }
0x56: {  	s0 =	simm.s32 @!p0 $0x3  }
0x57: {  	_ =	swait.ge @!p0 [sflag:s0], s1  }
0x58: {  	s1 =	ssub.s32 @!p0 $0x0, s1;
	[sflag:s0] =	ssyncset.done @!p0 $0x0  }
0x59: {  	[sflag:s0] =	ssyncadd.s32 @!p0 s1  }
0x5a: {  	[bflag:$0x3] =	sbarrier.arrive $0xFFFF  }
0x5b: {  	_ =	shalt  }

// kernel: kernel.8.cloned.1.call-start
scs
__scs_entry_jumppad:
0x0: {  	(pc) =	sbr.rel $0x88, $3  }
0x1: {  	(tag) =	ssettag $0x0;
	lr =	simm.s32 $0x1  }
0x2: {  	[smem:$0x3F9B] =	sst lr;
	_ =	strace $0xD0000000  }
0x3: {  	_ = 	snop  }
0x4: {  	_ = 	snop  }
0x5: {  	_ = 	snop  }
0x6: {  	_ = 	snop  }
0x7: {  	_ = 	snop  }
__scs_overlays_trampoline_lowered:
0x8: {  	[smem:$0x3FAA] =	sst s0  }
0x9: {  	[smem:$0x3FAB] =	sst s1  }
0xa: {  	[smem:$0x3FAC] =	sst s2  }
0xb: {  	[smem:$0x3FAD] =	sst s3  }
0xc: {  	[smem:$0x3FAE] =	sst s4  }
0xd: {  	[smem:$0x3FAF] =	sst s5  }
0xe: {  	[smem:$0x3FB0] =	sst s6  }
0xf: {  	[smem:$0x3FB1] =	sst s7  }
0x10: {  	[smem:$0x3FB2] =	sst s8  }
0x11: {  	[smem:$0x3FB3] =	sst s9;
	s0 =	simm.s32 @!p0 $0x0  }
0x12: {  	s1 =	sld [smem:$0x3F99];
	s0 =	simm.s32 @p0 $0x1  }
0x13: {  	[smem:$0x3FB4] =	sst s0;
	s0 =	simm.s32 @!p1 $0x0  }
0x14: {  	s2 =	sld [smem:$0x3F98];
	s0 =	simm.s32 @p1 $0x1  }
0x15: {  	[smem:$0x3FB5] =	sst s0;
	s0 =	simm.s32 @!p2 $0x0  }
0x16: {  	s3 =	sld [smem:$0x3FDB];
	s0 =	simm.s32 @p2 $0x1  }
0x17: {  	s4 =	simm.s32 $0x1BF5;
	[smem:$0x3FB7] =	sst s0  }
0x18: {  	s0 =	sld [smem:$0x3F9A];
	_ =	swait.ge [sflag:s4], $0x0  }
0x19: {  	s7 =	sld [smem:$0x3F9B]  }
0x1a: {  	s8 =	sadd.s32 $0xFFFFE003, lr  }
0x1b: {  	s9 =	sadd.s32 $0xFFFFFEF7, lr;
	s5 =	simm.s32 $0xFFFFFFFF;
	p2 =	slt.u32 s8, $0xFFFFF086  }
0x1c: {  	p1 =	slt.u32 s9, $0xF7A;
	s5 =	simm.s32 @!p2 $0x0  }
0x1d: {  	s5 =	simm.s32 @p1 $0x1;
	p0 =	seq.s32 s7, s2  }
0x1e: {  	s7 =	smul.u32 @!p0 $0xF7A, s2;
	p2 =	seq.s32 @!p0 s5, $0x0  }
0x1f: {  	s9 =	smul.u32 $0xF7A, s1;
	s8 =	simm.s32 @!p0 $0x1BF5;
	p2 =	por !p2, p0  }
0x20: {  	[sflag:s8] =	ssyncset.s32 @!p0 $0xFFFFF086;
	s6 =	sadd.s32 @!p0 s3, s7;
	s7 =	simm.s32 @!p0 $0x108  }
0x21: {  	s3 =	sadd.s32 s3, s9;
	s6 =	sadd.s32 @!p0 $0x88, s6;
	s7 =	simm.s32 @p2 $0x1082  }
0x22: {  	[simem:s7], [sflag:s8] =	dma.local @!p0 [hbm:s6], $0xF7A  }
0x23: {  	s9 =	sor.u32 $0xD0000000, s2;
	s6 =	simm.s32 $0x108;
	_ =	swait.ge @!p0 [sflag:s8], $0x0  }
0x24: {  	s3 =	sadd.s32 $0x88, s3;
	s6 =	simm.s32 @!p1 $0x1082;
	[sflag:s4] =	ssyncset.s32 $0xFFFFF086  }
0x25: {  	[simem:s6], [sflag:s4] =	dma.local [hbm:s3], $0xF7A  }
0x26: {  	[smem:$0x3F9B] =	sst s1;
	(tag) =	ssettag s2;
	_ =	strace s9  }
0x27: {  	s1 =	sld [smem:$0x3FAB]  }
0x28: {  	s2 =	sld [smem:$0x3FAC]  }
0x29: {  	s4 =	sld [smem:$0x3FAE]  }
0x2a: {  	p0 =	seq.s32 s5, $0x0;
	s5 =	sld [smem:$0x3FAF]  }
0x2b: {  	s6 =	sld [smem:$0x3FB0]  }
0x2c: {  	s7 =	sld [smem:$0x3FB1]  }
0x2d: {  	s3 =	simm.s32 $0x108;
	s8 =	sld [smem:$0x3FB2]  }
0x2e: {  	s3 =	simm.s32 @!p0 $0x1082;
	s9 =	sld [smem:$0x3FB3]  }
0x2f: {  	lr =	sadd.s32 s0, s3;
	s0 =	sld [smem:$0x3FAA]  }
0x30: {  	s3 =	sld [smem:$0x3FAD]  }
0x31: {  	[smem:$0x3FB6] =	sst s10  }
0x32: {  	s10 =	sld [smem:$0x3FB4];
	_ =	sdelay $0x3  }
0x33: {  	p0 =	seq.s32 s10, $0x1;
	s10 =	sld [smem:$0x3FB6];
	_ =	sdelay $0x3  }
0x34: {  	[smem:$0x3FB6] =	sst s10  }
0x35: {  	s10 =	sld [smem:$0x3FB5];
	_ =	sdelay $0x3  }
0x36: {  	p1 =	seq.s32 s10, $0x1;
	s10 =	sld [smem:$0x3FB6];
	_ =	sdelay $0x3  }
0x37: {  	[smem:$0x3FB6] =	sst s10  }
0x38: {  	s10 =	sld [smem:$0x3FB7]  }
0x39: {  	_ = 	snop;
	(pc) =	sbr.ind lr, $3  }
0x3a: {  	_ = 	snop  }
0x3b: {  	_ = 	snop  }
0x3c: {  	p2 =	seq.s32 s10, $0x1;
	s10 =	sld [smem:$0x3FB6]  }
0x3d: {  	_ =	shalt  }
0x3e: {  	_ =	shalt  }
0x3f: {  	_ =	shalt  }
0x40: {  	_ =	shalt  }
0x41: {  	_ =	shalt  }
0x42: {  	_ =	shalt  }
0x43: {  	_ =	shalt  }
0x44: {  	_ =	shalt  }
0x45: {  	_ =	shalt  }
0x46: {  	_ =	shalt  }
0x47: {  	_ =	shalt  }
0x48: {  	_ =	shalt  }
0x49: {  	_ =	shalt  }
0x4a: {  	_ =	shalt  }
0x4b: {  	_ =	shalt  }
0x4c: {  	_ =	shalt  }
0x4d: {  	_ =	shalt  }
0x4e: {  	_ =	shalt  }
0x4f: {  	_ =	shalt  }
0x50: {  	_ =	shalt  }
0x51: {  	_ =	shalt  }
0x52: {  	_ =	shalt  }
0x53: {  	_ =	shalt  }
0x54: {  	_ =	shalt  }
0x55: {  	_ =	shalt  }
0x56: {  	_ =	shalt  }
0x57: {  	_ =	shalt  }
0x58: {  	_ =	shalt  }
0x59: {  	_ =	shalt  }
0x5a: {  	_ =	shalt  }
0x5b: {  	_ =	shalt  }
0x5c: {  	_ =	shalt  }
0x5d: {  	_ =	shalt  }
0x5e: {  	_ =	shalt  }
0x5f: {  	_ =	shalt  }
0x60: {  	_ =	shalt  }
0x61: {  	_ =	shalt  }
0x62: {  	_ =	shalt  }
0x63: {  	_ =	shalt  }
0x64: {  	_ =	shalt  }
0x65: {  	_ =	shalt  }
0x66: {  	_ =	shalt  }
0x67: {  	_ =	shalt  }
0x68: {  	_ =	shalt  }
0x69: {  	_ =	shalt  }
0x6a: {  	_ =	shalt  }
0x6b: {  	_ =	shalt  }
0x6c: {  	_ =	shalt  }
0x6d: {  	_ =	shalt  }
0x6e: {  	_ =	shalt  }
0x6f: {  	_ =	shalt  }
0x70: {  	_ =	shalt  }
0x71: {  	_ =	shalt  }
0x72: {  	_ =	shalt  }
0x73: {  	_ =	shalt  }
0x74: {  	_ =	shalt  }
0x75: {  	_ =	shalt  }
0x76: {  	_ =	shalt  }
0x77: {  	_ =	shalt  }
0x78: {  	_ =	shalt  }
0x79: {  	_ =	shalt  }
0x7a: {  	_ =	shalt  }
0x7b: {  	_ =	shalt  }
0x7c: {  	_ =	shalt  }
0x7d: {  	_ =	shalt  }
0x7e: {  	_ =	shalt  }
0x7f: {  	_ =	shalt  }
0x80: {  	_ =	shalt  }
0x81: {  	_ =	shalt  }
0x82: {  	_ =	shalt  }
0x83: {  	_ =	shalt  }
0x84: {  	_ =	shalt  }
0x85: {  	_ =	shalt  }
0x86: {  	_ =	shalt  }
0x87: {  	_ =	shalt  }
.Lfunc_end0:
.L_simem_size_0:
called_computation_lowered:
.L_overlay_start_0:
0x88: {  	s2 =	sld [smem:$0x3FD9]  }
0x89: {  	s3 =	sld [smem:$0x3FFE];
	_ =	sdelay $0x1  }
0x8a: {  	s1 =	srdreg.scid  }
0x8b: {  	s0 =	sand.u32 $0x1, s1  }
0x8c: {  	s17 =	sshll.u32 s0, $0xA;
	s2 =	sadd.s32 s3, s2  }
0x8d: {  	s2 =	sadd.s32 s2, s17  }
0x8e: {  	[smem:$0x3FC2] =	sst s2  }
0x8f: {  	_ = 	snop  }
0x90: {  	(tm) =	ssettm $0x1  }
0x91: {  	s18 =	sld [smem:$0x3FFB];
	_ =	sdelay $0x3  }
0x92: {  	_ =	strace s18  }
0x93: {  	s2 =	sld [smem:$0x3FFC];
	_ =	sdelay $0x3  }
0x94: {  	_ =	strace s2  }
0x95: {  	s2 =	sld [smem:$0x3FFD];
	_ =	sdelay $0x3  }
0x96: {  	_ =	strace s2  }
0x97: {  	_ =	strace $0x8FFFFFFF  }
0x98: {  	s19 =	sld [smem:$0x3FDB];
	_ =	sdelay $0x1  }
0x99: {  	s20 =	simm.s32 $_scs_section_size  }
0x9a: {  	s4 =	simm.s32 $_size__tile_overlayer_lowered;
	s5 =	simm.s32 $_tile_overlayer_lowered  }
0x9b: {  	s6 =	simm.s32 $0x1BFF;
	s21 =	sshll.u32 s5, $0x1;
	s3 =	sadd.s32 s20, s19  }
0x9c: {  	s22 =	simm.s32 $0x0;
	s4 =	sshll.u32 s4, $0x1;
	s5 =	sadd.s32 s21, s3  }
0x9d: {  	[timem:s22], [sflag:s6] =	dma.local [hbm:s5], s4  }
0x9e: {  	_ =	swait.ge [sflag:s6], s4  }
0x9f: {  	s4 =	ssub.s32 $0x0, s4;
	[sflag:s6] =	ssyncset.done $0x0  }
0xa0: {  	[sflag:s6] =	ssyncadd.s32 s4;
	_ =	sdelay $0x1  }
0xa1: {  	s23 =	simm.s32 $0x1B8B  }
0xa2: {  	_ =	swait.ge [sflag:s23], $0x1  }
0xa3: {  	[sflag:s23] =	ssyncset.done $0x0  }
0xa4: {  	[sflag:s23] =	ssyncadd.s32 $0xFFFFFFFF  }
0xa5: {  	s4 =	sld [smem:$0x0]  }
0xa6: {  	s5 =	sand.u32 $0xFFFFFFFE, s1  }
0xa7: {  	p0 =	sne.s32 s1, s5  }
0xa8: {  	s5 =	sshll.u32 @p0 s5, $0xE  }
0xa9: {  	s5 =	sadd.s32 @p0 $0x11B8D, s5;
	s6 =	sshll.u32 @p0 s4, $0x11  }
0xaa: {  	s5 =	sor.u32 @p0 s6, s5  }
0xab: {  	[sflag:s5] =	ssyncadd.remote.s32 @p0 $0x1;
	_ =	sdelay $0x1  }
0xac: {  	s5 =	simm.s32 @p0 $0x1B8D  }
0xad: {  	_ =	swait.eq @p0 [sflag:s5], $0x1  }
0xae: {  	[sflag:s5] =	ssyncadd.s32 @p0 $0xFFFFFFFF  }
0xaf: {  	s6 =	sshll.u32 @!p0 s1, $0xE  }
0xb0: {  	s6 =	sor.u32 @!p0 $0x4000, s6;
	s5 =	simm.s32 @!p0 $0x1B8D  }
0xb1: {  	s4 =	sshll.u32 @!p0 s4, $0x11;
	s6 =	sadd.s32 @!p0 $0x11B8D, s6;
	_ =	swait.eq @!p0 [sflag:s5], $0x1  }
0xb2: {  	s4 =	sor.u32 @!p0 s4, s6;
	[sflag:s5] =	ssyncadd.s32 @!p0 $0xFFFFFFFF  }
0xb3: {  	s25 =	simm.s32 $0x1B8E;
	s24 =	sld [smem:$0x3FFE];
	[sflag:s4] =	ssyncadd.remote.s32 @!p0 $0x1  }
0xb4: {  	s26 =	simm.s32 $execute0_lowered;
	[smem:$0x3FD2] =	sst s25  }
0xb5: {  	s5 =	sshll.u32 s26, $0x1;
	_ =	strace $0x80000049;
	[dreg:$0x1] =	wrdreg $0xFFFFFFFF  }
0xb6: {  	s28 =	simm.s32 $_size_execute0_lowered;
	s3 =	sadd.s32 s3, s5;
	[dreg:$0x0] =	wrdreg $0x0  }
0xb7: {  	s5 =	sshll.u32 s28, $0x1;
	[dreg:$0x2] =	wrdreg s3  }
0xb8: {  	[dreg:$0x3] =	wrdreg s5  }
0xb9: {  	[dreg:$0x4] =	wrdreg $0xC0  }
0xba: {  	_ =	task [dreg:s22], $0x5FFFF  }
0xbb: {  	[dreg:$0x1] =	wrdreg $0xFFFFFFFF  }
0xbc: {  	[dreg:$0x0] =	wrdreg $0x60  }
0xbd: {  	[dreg:$0x2] =	wrdreg s24  }
0xbe: {  	[dreg:$0x3] =	wrdreg $0x68000  }
0xbf: {  	[dreg:$0x4] =	wrdreg $0x9  }
0xc0: {  	_ =	task.clear_ibuf [dreg:s22], $0x5FFFF;
	_ =	strace $0x90000049  }
0xc1: {  	s29 =	simm.s32 $0x9;
	_ =	strace $0x8000004B  }
0xc2: {  	_ =	swait.ge [sflag:s29], $0x1  }
0xc3: {  	[sflag:s29] =	ssyncadd.s32 $0xFFFFFFFF  }
0xc4: {  	_ =	strace $0x9000004B  }
0xc5: {  	_ =	sfence  }
0xc6: {  	s30 =	sld [smem:$0x0];
	_ =	sdelay $0x2  }
0xc7: {  	s31 =	sshll.u32 s1, $0xD;
	s1 =	sshrl.u32 s1, $0x2  }
0xc8: {  	s4 =	sand.u32 $0x4000, s31;
	s1 =	sadd.s32 s1, s30  }
0xc9: {  	s0 =	sor.u32 s4, s0;
	s1 =	sshll.u32 s1, $0x11  }
0xca: {  	s0 =	sor.u32 s1, s0  }
0xcb: {  	s0 =	sadd.s32 $0x8F2B, s0  }
0xcc: {  	[sflag:s0] =	ssyncadd.remote.s32 $0x1  }
0xcd: {  	_ =	sfence.sel $0xFFFF  }
0xce: {  	[dreg:$0x0] =	wrdreg $0xFFFFFFFF;
	(pc) =	sbr.abs _section_cstart, $3  }
0xcf: {  	[dreg:$0x1] =	wrdreg $0xFFFFFFFF  }
0xd0: {  	_ =	task.clear_ibuf [dreg:s22], $0x2FFFF;
	_ =	strace $0x9FFFFFFF  }
0xd1: {  	(tm) =	ssettm $0x7FFFFFFF  }
tec
execute0_lowered:
.L_overlay_start_1:
0x0: {  	(tag) =	ssettag $0x1  }
0x1: {  	s0 =	srdreg.scid;
	s5 =	rddreg [dreg:$0x0]  }
0x2: {  	s2 =	rddreg [dreg:$0x1];
	s4 =	sand.u32 $0x1, s0;
	s0 =	stileid.u32  }
0x3: {  	s3 =	simm.s32 $0x0;
	s14 =	simm.s32 $0x0;
	s6 =	smul.u32 $0x13C00, s0  }
0x4: {  	[smem:$0x7FF] =	sst s3;
	s1 =	sshll.u32 s4, $0x4;
	s9 =	smul.u32 $0x13C000, s4  }
0x5: {  	s29 =	ssub.s32 $0x2, s4;
	s10 =	smul.u32 $0x4F000, s0;
	s4 =	sadd.s32 $0xAAC00, s5  }
0x6: {  	s31 =	sshll.u32 s0, $0x6;
	s7 =	sor.u32 s0, s1;
	s1 =	rddreg [dreg:$0x2]  }
0x7: {  	_ =	strace $0x8000004A;
	s11 =	sshrl.u32 s29, $0x1;
	s7 =	smul.u32 $0x500, s7  }
0x8: {  	s8 =	sshrl.u32 s6, $0x3;
	s6 =	sadd.s32 s6, s9;
	s9 =	ssub.s32 s29, s11  }
0x9: {  	s30 =	sshrl.u32 s10, $0x2;
	s10 =	simm.s32 $0x2800;
	s11 =	sor.u32 $0x1C01, s31  }
0xa: {  	s8 =	sadd.s32 s8, s5;
	s6 =	sshrl.u32 s6, $0x3;
	s13 =	sadd.s32 s30, s2  }
0xb: {  	s7 =	sadd.s32 s7, s5;
	s12 =	sadd.s32 s6, s5;
	s6 =	sadd.s32 $0xCC00, s8  }
0xc: {  	s8 =	smax.u32 s9, $0x1;
	s9 =	simm.s32 $0x1;
	s5 =	sadd.s32 $0x2C00, s7  }
0xd: {  	s7 =	sadd.s32 $0xAB400, s12;
	s12 =	sshrl.u32 s13, $0x3;
	s13 =	simm.s32 $0x80  }
.LBB2_1:
0xe: {  	[tilespmem:s3], [sflag:$0x1] =	stream.linear.gather [hbm4b:s5+s3], $0x2780, $0x38;
	[tilespmem:$0x1A400] =	vst v63  }
0xf: {  	_ =	swait.ge [sflag:s9], $0x2780  }
0x10: {  	[sflag:s9] =	ssyncset.done $0x0  }
0x11: {  	[sflag:s9] =	ssyncadd.s32 $0xFFFFD880  }
0x12: {  	[tilespmem:s10], [sflag:$0x1] =	stream.linear.gather [hbm4b:s4+s3], $0x4000, $0x38;
	[tilespmem:$0x1A400] =	vst v63  }
0x13: {  	_ =	swait.ge [sflag:s9], $0x4000  }
0x14: {  	[sflag:s9] =	ssyncset.done $0x0  }
0x15: {  	[sflag:s9] =	ssyncadd.s32 $0xFFFFC000  }
0x16: {  	[spmem:s12], [sflag:s11] =	dma.local [hbm:s6], $0x2780  }
0x17: {  	_ =	swait.ge [sflag:s9], $0x2780  }
0x18: {  	[sflag:s9] =	ssyncset.done $0x0  }
0x19: {  	[sflag:s9] =	ssyncadd.s32 $0xFFFFD880  }
0x1a: {  	s15 =	simm.s32 $0x0;
	[bflag:$0x0] =	sbarrier.arrive $0xFFFF  }
0x1b: {  	[spmem:s2] =	stream.indirect.scatter.add.f32 [tilespmem:s10], [sflag:$0x1], $0x80, s15, s13, $0xb8;
	[tilespmem:$0x1A400] =	vst v63  }
0x1c: {  	_ =	swait.ge [sflag:s9], $0x4000  }
0x1d: {  	s15 =	simm.s32 $0x200;
	[sflag:s9] =	ssyncset.done $0x0  }
.LBB2_2:
0x1e: {  	s16 =	sshra.s32 s15, $0x2;
	[sflag:s9] =	ssyncadd.s32 $0xFFFFC000;
	p0 =	sne.s32 s15, $0x9C00  }
0x1f: {  	[spmem:s2] =	stream.indirect.scatter.add.f32 [tilespmem:s10], [sflag:$0x1], $0x80, s16, s13, $0xb8;
	[tilespmem:$0x1A400] =	vst v63  }
.Ltmp0:
0x20: {  	_ = 	snop;
	(pc) =	sbr.rel @p0 .LBB2_2-.Ltmp0, $4  }
0x21: {  	_ = 	snop  }
0x22: {  	s15 =	sadd.s32 $0x200, s15  }
0x23: {  	_ =	swait.ge [sflag:s9], $0x4000  }
0x24: {  	[sflag:s9] =	ssyncset.done $0x0  }
0x25: {  	s14 =	sadd.s32 $0x1, s14  }
0x26: {  	[sflag:s9] =	ssyncadd.s32 $0xFFFFC000;
	p0 =	sne.s32 s14, s8  }
.Ltmp1:
0x27: {  	[bflag:$0x0] =	sbarrier.arrive $0xFFFF;
	(pc) =	sbr.rel @p0 .LBB2_1-.Ltmp1, $4  }
0x28: {  	[hbm:s7], [sflag:s11] =	dma.local [spmem:s12], $0x2780  }
0x29: {  	_ =	swait.ge [sflag:s9], $0x2780  }
0x2a: {  	[sflag:s9] =	ssyncset.done $0x0  }
0x2b: {  	[sflag:s9] =	ssyncadd.s32 $0xFFFFD880  }
0x2c: {  	_ =	sfence.sel $0x180000  }
0x2d: {  	[bflag:$0x0] =	sbarrier.arrive $0xFFFF  }
0x2e: {  	p0 =	sne.s32 s0, $0x0;
	_ =	strace $0x9000004A  }
0x2f: {  	s0 =	sadd.s32 @!p0 $0x100000, s1;
	[bflag:$0x2] =	sbarrier.arrive $0xFFFF  }
0x30: {  	[sflag:s0] =	ssyncadd.tile.s32 @!p0 $0x1;
	_ =	shalt  }
.Lfunc_end2:
_tile_overlayer_lowered:
.L_overlay_start_2:
0x31: {  	(tag) =	ssettag $0x2  }
0x32: {  	s0 =	rddreg [dreg:$0x0];
	s2 =	stileid.u32  }
0x33: {  	s1 =	rddreg [dreg:$0x1];
	p0 =	sne.s32 s2, $0x0  }
0x34: {  	s3 =	rddreg [dreg:$0x2];
	[bflag:$0x3] =	sbarrier.arrive $0xFFFF;
	s2 =	simm.s32 @!p0 $0x1C01  }
0x35: {  	[timem:s3], [sflag:s2] =	dma.local @!p0 [hbm:s0], s1  }
0x36: {  	s0 =	simm.s32 @!p0 $0x1  }
0x37: {  	_ =	swait.ge @!p0 [sflag:s0], s1  }
0x38: {  	s1 =	ssub.s32 @!p0 $0x0, s1;
	[sflag:s0] =	ssyncset.done @!p0 $0x0  }
0x39: {  	[sflag:s0] =	ssyncadd.s32 @!p0 s1  }
0x3a: {  	[bflag:$0x3] =	sbarrier.arrive $0xFFFF  }
0x3b: {  	_ =	shalt  }

</sc_bundles>
